<compile_context>
chip_gen: v7x
topology: tpu7x:2x2x1
jax: 0.10.2.dev20260603
libtpu: 0.0.44.dev20260713+nightly
codegen_flags: <defaults>
</compile_context>

<pallas_src>
import jax
import jax.numpy as jnp
from jax import lax
from jax.experimental import pallas as pl
from jax.experimental.pallas import tpu as pltpu
from jax.experimental.pallas import tpu_sc as plsc

N = 10000
E = 320000
D = 128

NC = 2
NS = 16
L = 16

CHUNK = 96
N_ITER = 209
EPT = N_ITER * CHUNK
E_PAD = EPT * NS
N_ACC = 10240
DEPTH = 3

EB = 32000
NEB = E // EB



def _sc_body(srcs_hbm, dsts_hbm, x_hbm, agg_out, agg_sh,
             src0, src1, src2, dst0, dst1, dst2,
             rows0, rows1, rows2,
             si0, si1, si2, sg0, sg1, sg2):
    c = lax.axis_index("c")
    s = lax.axis_index("s")
    src_v = (src0, src1, src2)
    dst_v = (dst0, dst1, dst2)
    rows_v = (rows0, rows1, rows2)
    sem_i = (si0, si1, si2)
    sem_g = (sg0, sg1, sg2)

    def fill_row(i, _):
        for j in range(D // L):
            rows0[i, pl.ds(j * L, L)] = jnp.zeros((L,), jnp.float32)
        return 0
    lax.fori_loop(0, CHUNK, fill_row, 0)

    stripe = N_ACC // NS
    for k in range(stripe // CHUNK):
        pltpu.sync_copy(rows0, agg_sh.at[pl.ds(s * stripe + k * CHUNK, CHUNK)])
    rem = stripe % CHUNK
    if rem:
        pltpu.sync_copy(rows0.at[pl.ds(0, rem)],
                        agg_sh.at[pl.ds(s * stripe + stripe - rem, rem)])
    plsc.subcore_barrier()

    base_blk = (c * NS + s) * N_ITER

    pltpu.sync_copy(srcs_hbm.at[base_blk], src0)
    pltpu.sync_copy(dsts_hbm.at[base_blk], dst0)
    pltpu.async_copy(srcs_hbm.at[base_blk + 1], src1, si1)
    pltpu.async_copy(dsts_hbm.at[base_blk + 1], dst1, si1)
    pltpu.async_copy(srcs_hbm.at[base_blk + 2], src2, si2)
    pltpu.async_copy(dsts_hbm.at[base_blk + 2], dst2, si2)
    pltpu.async_copy(x_hbm.at[src0], rows0, sg0)
    pltpu.make_async_copy(srcs_hbm.at[base_blk], src1, si1).wait()
    pltpu.make_async_copy(dsts_hbm.at[base_blk], dst1, si1).wait()
    pltpu.async_copy(x_hbm.at[src1], rows1, sg1)

    def triple(g, _):
        for b in range(DEPTH):
            i = DEPTH * g + b
            o = (b + 2) % DEPTH
            pltpu.make_async_copy(x_hbm.at[src_v[b]], rows_v[b],
                                  sem_g[b]).wait()
            pltpu.sync_copy(rows_v[b], agg_sh.at[dst_v[b].at[0]], add=True)
            nb = jnp.minimum(i + DEPTH, N_ITER - 1)
            pltpu.async_copy(srcs_hbm.at[base_blk + nb], src_v[b], sem_i[b])
            pltpu.async_copy(dsts_hbm.at[base_blk + nb], dst_v[b], sem_i[b])
            pltpu.make_async_copy(srcs_hbm.at[base_blk], src_v[o],
                                  sem_i[o]).wait()
            pltpu.make_async_copy(dsts_hbm.at[base_blk], dst_v[o],
                                  sem_i[o]).wait()
            pltpu.async_copy(x_hbm.at[src_v[o]], rows_v[o], sem_g[o])
        return 0
    lax.fori_loop(0, (N_ITER - 2) // DEPTH, triple, 0)

    pltpu.make_async_copy(x_hbm.at[src0], rows0, sg0).wait()
    pltpu.sync_copy(rows0, agg_sh.at[dst0.at[0]], add=True)
    pltpu.make_async_copy(x_hbm.at[src1], rows1, sg1).wait()
    pltpu.sync_copy(rows1, agg_sh.at[dst1.at[0]], add=True)
    pltpu.make_async_copy(srcs_hbm.at[base_blk], src2, si2).wait()
    pltpu.make_async_copy(dsts_hbm.at[base_blk], dst2, si2).wait()

    plsc.subcore_barrier()

    pltpu.sync_copy(agg_sh.at[pl.ds(s * stripe, stripe)],
                    agg_out.at[c].at[pl.ds(s * stripe, stripe)])


def _sc_aggregate(srcs_blk, dsts_blk, x):
    mesh = plsc.VectorSubcoreMesh(core_axis_name="c", subcore_axis_name="s",
                                  num_cores=NC, num_subcores=NS)
    return pl.kernel(
        _sc_body,
        out_type=jax.ShapeDtypeStruct((2, N_ACC, D), jnp.float32),
        mesh=mesh,
        scratch_types=[
            pltpu.VMEM_SHARED((N_ACC, D), jnp.float32),
            pltpu.VMEM((CHUNK,), jnp.int32),
            pltpu.VMEM((CHUNK,), jnp.int32),
            pltpu.VMEM((CHUNK,), jnp.int32),
            pltpu.VMEM((1, CHUNK), jnp.int32),
            pltpu.VMEM((1, CHUNK), jnp.int32),
            pltpu.VMEM((1, CHUNK), jnp.int32),
            pltpu.VMEM((CHUNK, D), jnp.float32),
            pltpu.VMEM((CHUNK, D), jnp.float32),
            pltpu.VMEM((CHUNK, D), jnp.float32),
            pltpu.SemaphoreType.DMA,
            pltpu.SemaphoreType.DMA,
            pltpu.SemaphoreType.DMA,
            pltpu.SemaphoreType.DMA,
            pltpu.SemaphoreType.DMA,
            pltpu.SemaphoreType.DMA,
        ],
    )(srcs_blk, dsts_blk, x)



def _deg_body(df_ref, db_ref, out_ref):
    i = pl.program_id(0)
    rows = lax.broadcasted_iota(jnp.int32, (D, EB), 0)
    dn = (((1,), (1,)), ((), ()))

    @pl.when(i == 0)
    def _():
        out_ref[...] = jnp.zeros((2, D, D), jnp.float32)

    for k, ref in enumerate((df_ref, db_ref)):
        d = ref[1:2]
        hi = d >> 7
        lo = d & 127
        hi_t = (rows == hi).astype(jnp.bfloat16)
        lo_t = (rows == lo).astype(jnp.bfloat16)
        out_ref[k] += lax.dot_general(hi_t, lo_t, dn,
                                      preferred_element_type=jnp.float32)


def _tc_degrees(ei, rei):
    dst_row = pl.BlockSpec((2, EB), lambda i: (0, i))
    return pl.pallas_call(
        _deg_body,
        grid=(NEB,),
        in_specs=[dst_row, dst_row],
        out_specs=pl.BlockSpec((2, D, D), lambda i: (0, 0, 0)),
        out_shape=jax.ShapeDtypeStruct((2, D, D), jnp.float32),
    )(ei, rei)



def _tc_body(af, ab, df, db, xb, wlf, wlb, wrf, wrb, bf, bb, out):
    mean_f = af[0] / jnp.maximum(df[...], 1.0)
    mean_b = ab[0] / jnp.maximum(db[...], 1.0)
    dn = (((1,), (1,)), ((), ()))
    z = lax.dot_general(mean_f, wlf[...], dn, preferred_element_type=jnp.float32)
    z = z + lax.dot_general(mean_b, wlb[...], dn, preferred_element_type=jnp.float32)
    z = z + lax.dot_general(xb[...], wrf[...] + wrb[...], dn,
                            preferred_element_type=jnp.float32)
    z = z + (bf[...] + bb[...])
    out[...] = jnp.maximum(0.5 * z, 0.0)


def _tc_tail(af, ab, df, db, x, Wl_f, Wl_b, Wr_f, Wr_b, bl_f, bl_b):
    B = 1000
    grid = (N // B,)
    row = lambda i: (i, 0)
    full = lambda i: (0, 0)
    return pl.pallas_call(
        _tc_body,
        grid=grid,
        in_specs=[
            pl.BlockSpec((1, B, D), lambda i: (0, i, 0)),
            pl.BlockSpec((1, B, D), lambda i: (1, i, 0)),
            pl.BlockSpec((B, 1), row),
            pl.BlockSpec((B, 1), row),
            pl.BlockSpec((B, D), row),
            pl.BlockSpec((D, D), full),
            pl.BlockSpec((D, D), full),
            pl.BlockSpec((D, D), full),
            pl.BlockSpec((D, D), full),
            pl.BlockSpec((1, D), full),
            pl.BlockSpec((1, D), full),
        ],
        out_specs=pl.BlockSpec((B, D), row),
        out_shape=jax.ShapeDtypeStruct((N, D), jnp.float32),
    )(af, ab, df, db, x, Wl_f, Wl_b, Wr_f, Wr_b, bl_f, bl_b)


@jax.jit
def kernel(x, edge_index, reverse_edge_index, Wl_f, bl_f, Wr_f, Wl_b, bl_b, Wr_b):
    ei = edge_index.astype(jnp.int32)
    rei = reverse_edge_index.astype(jnp.int32)
    pad = E_PAD - E
    pad_src = (jnp.arange(pad, dtype=jnp.int32) * 97) % N
    pad_dst = N + (jnp.arange(pad, dtype=jnp.int32) % (N_ACC - N))

    nblk = NC * NS * N_ITER
    srcs_blk = jnp.concatenate([ei[0], pad_src, rei[0], pad_src]
                               ).reshape(nblk, CHUNK)
    dsts_blk = jnp.concatenate([ei[1], pad_dst, rei[1], pad_dst]
                               ).reshape(nblk, 1, CHUNK)

    agg2 = _sc_aggregate(srcs_blk, dsts_blk, x)
    deg_hl = _tc_degrees(ei, rei)

    df = deg_hl[0].reshape(D * D)[:N, None]
    db = deg_hl[1].reshape(D * D)[:N, None]
    return _tc_tail(agg2, agg2, df, db, x,
                    Wl_f, Wl_b, Wr_f, Wr_b,
                    bl_f.reshape(1, D), bl_b.reshape(1, D))

# --- scband reference (transcript-rebuilt; emitter-appended) ---
"""Pipeline reference for scband-bidirectional-sageconv-19610820673955 (READ-ONLY COPY).

The authoritative reference and input builder live on the scoring server;
editing this copy changes nothing except your own understanding.
"""

import jax, jax.numpy as jnp
import numpy as np

N_NODES = 10000
N_EDGES = 320000
D_IN = 128
D_OUT = 128


def _sage_conv(x, edge_index, W_l, b_l, W_r):
    # PyG SAGEConv with mean aggregation:
    #   out = Linear_l(mean_{j in N(i)} x_j) + Linear_r(x_i)
    # edge_index[0] = src, edge_index[1] = dst
    src = edge_index[0]
    dst = edge_index[1]
    n = x.shape[0]
    msgs = jnp.take(x, src, axis=0)                      # gather [E, D]
    agg = jax.ops.segment_sum(msgs, dst, num_segments=n) # scatter-add [N, D]
    deg = jax.ops.segment_sum(jnp.ones((msgs.shape[0],), dtype=x.dtype), dst, num_segments=n)
    mean = agg / jnp.maximum(deg, 1.0)[:, None]
    return mean @ W_l.T + b_l + x @ W_r.T


def setup_inputs(seed: int = 0) -> dict:
    key = jax.random.key(seed)
    ks = jax.random.split(key, 9)
    x = jax.random.normal(ks[0], (N_NODES, D_IN), dtype=jnp.float32)
    edge_index = jax.random.randint(ks[1], (2, N_EDGES), 0, N_NODES, dtype=jnp.int64)
    reverse_edge_index = jax.random.randint(ks[2], (2, N_EDGES), 0, N_NODES, dtype=jnp.int64)
    s = 1.0 / np.sqrt(D_IN)
    Wl_f = jax.random.uniform(ks[3], (D_OUT, D_IN), minval=-s, maxval=s, dtype=jnp.float32)
    bl_f = jax.random.uniform(ks[4], (D_OUT,), minval=-s, maxval=s, dtype=jnp.float32)
    Wr_f = jax.random.uniform(ks[5], (D_OUT, D_IN), minval=-s, maxval=s, dtype=jnp.float32)
    Wl_b = jax.random.uniform(ks[6], (D_OUT, D_IN), minval=-s, maxval=s, dtype=jnp.float32)
    bl_b = jax.random.uniform(ks[7], (D_OUT,), minval=-s, maxval=s, dtype=jnp.float32)
    Wr_b = jax.random.uniform(ks[8], (D_OUT, D_IN), minval=-s, maxval=s, dtype=jnp.float32)
    return {"x": x, "edge_index": edge_index, "reverse_edge_index": reverse_edge_index,
            "Wl_f": Wl_f, "bl_f": bl_f, "Wr_f": Wr_f,
            "Wl_b": Wl_b, "bl_b": bl_b, "Wr_b": Wr_b}


def reference(x, edge_index, reverse_edge_index, Wl_f, bl_f, Wr_f, Wl_b, bl_b, Wr_b):
    x_forward = _sage_conv(x, edge_index, Wl_f, bl_f, Wr_f)
    x_backward = _sage_conv(x, reverse_edge_index, Wl_b, bl_b, Wr_b)
    out = (x_forward + x_backward) / 2.0
    return jax.nn.relu(out)

if __name__ == "__main__":
    import jax
    _d = setup_inputs()
    print(jax.jit(kernel)(*tuple(_d.values())))

</pallas_src>

<mosaic_0001>
#map = affine_map<(d0, d1) -> (0, 0)>
#map1 = affine_map<(d0, d1) -> (0, 0, 0)>
module attributes {stable_mosaic.version = 14 : i64} {
  func.func @_sc_body(%arg0: i32, %arg1: i32, %arg2: memref<6688x96xi32, #tpu.memory_space<hbm>>, %arg3: memref<6688x1x96xi32, #tpu.memory_space<hbm>>, %arg4: memref<10000x128xf32, #tpu.memory_space<hbm>>, %arg5: memref<2x10240x128xf32, #tpu.memory_space<hbm>>, %arg6: memref<10240x128xf32, #tpu.memory_space<vmem_shared>>, %arg7: memref<96xi32, #tpu.memory_space<vmem>>, %arg8: memref<96xi32, #tpu.memory_space<vmem>>, %arg9: memref<96xi32, #tpu.memory_space<vmem>>, %arg10: memref<1x96xi32, #tpu.memory_space<vmem>>, %arg11: memref<1x96xi32, #tpu.memory_space<vmem>>, %arg12: memref<1x96xi32, #tpu.memory_space<vmem>>, %arg13: memref<96x128xf32, #tpu.memory_space<vmem>>, %arg14: memref<96x128xf32, #tpu.memory_space<vmem>>, %arg15: memref<96x128xf32, #tpu.memory_space<vmem>>, %arg16: memref<!tpu.dma_semaphore, #tpu.memory_space<semaphore_mem>>, %arg17: memref<!tpu.dma_semaphore, #tpu.memory_space<semaphore_mem>>, %arg18: memref<!tpu.dma_semaphore, #tpu.memory_space<semaphore_mem>>, %arg19: memref<!tpu.dma_semaphore, #tpu.memory_space<semaphore_mem>>, %arg20: memref<!tpu.dma_semaphore, #tpu.memory_space<semaphore_mem>>, %arg21: memref<!tpu.dma_semaphore, #tpu.memory_space<semaphore_mem>>) attributes {dimension_semantics = [#tpu.dimension_semantics<core_parallel>, #tpu.dimension_semantics<subcore_parallel>], iteration_bounds = array<i64: 2, 16>, scalar_prefetch = 0 : i64, scratch_operands = 16 : i64, tpu.core_type = #tpu.core_type<sc_vector_subcore>, window_params = [{transform_indices = #map}, {transform_indices = #map1}, {transform_indices = #map}, {transform_indices = #map1}]} {
    %scan3A = arith.constant 0 : i32
    %scan3A_0 = arith.constant 0 : i32
    %scan3A_1 = arith.constant 96 : i32
    %scan3A_2 = arith.addi %scan3A_0, %scan3A_1 : i32
    %scan3A_3 = arith.constant 1 : i32
    %scan3A_4 = scf.for %scan3A_125 = %scan3A_0 to %scan3A_2 step %scan3A_3 iter_args(%scan3A_126 = %scan3A) -> (i32)  : i32 {
      %broadcast_in_dim3A = arith.constant 0.000000e+00 : f32
      %broadcast_in_dim3A_127 = vector.broadcast %broadcast_in_dim3A : f32 to vector<16xf32>
      %swap3A = arith.index_cast %scan3A_125 : i32 to index
      %swap3A_128 = arith.constant 0 : index
      %swap3A_129 = tpu.vector_load %arg13[%swap3A, %swap3A_128] {strides = array<i32>} : memref<96x128xf32, #tpu.memory_space<vmem>>, vector<1x16xf32>,
      %swap3A_130 = vector.shape_cast %swap3A_129 : vector<1x16xf32> to vector<16xf32>
      %swap3A_131 = vector.shape_cast %broadcast_in_dim3A_127 : vector<16xf32> to vector<1x16xf32>
      tpu.vector_store %arg13[%swap3A, %swap3A_128], %swap3A_131 {strides = array<i32>} : memref<96x128xf32, #tpu.memory_space<vmem>>, vector<1x16xf32>,
      %broadcast_in_dim3A_132 = arith.constant 0.000000e+00 : f32
      %broadcast_in_dim3A_133 = vector.broadcast %broadcast_in_dim3A_132 : f32 to vector<16xf32>
      %swap3A_134 = arith.index_cast %scan3A_125 : i32 to index
      %swap3A_135 = arith.constant 16 : index
      %swap3A_136 = tpu.vector_load %arg13[%swap3A_134, %swap3A_135] {strides = array<i32>} : memref<96x128xf32, #tpu.memory_space<vmem>>, vector<1x16xf32>,
      %swap3A_137 = vector.shape_cast %swap3A_136 : vector<1x16xf32> to vector<16xf32>
      %swap3A_138 = vector.shape_cast %broadcast_in_dim3A_133 : vector<16xf32> to vector<1x16xf32>
      tpu.vector_store %arg13[%swap3A_134, %swap3A_135], %swap3A_138 {strides = array<i32>} : memref<96x128xf32, #tpu.memory_space<vmem>>, vector<1x16xf32>,
      %broadcast_in_dim3A_139 = arith.constant 0.000000e+00 : f32
      %broadcast_in_dim3A_140 = vector.broadcast %broadcast_in_dim3A_139 : f32 to vector<16xf32>
      %swap3A_141 = arith.index_cast %scan3A_125 : i32 to index
      %swap3A_142 = arith.constant 32 : index
      %swap3A_143 = tpu.vector_load %arg13[%swap3A_141, %swap3A_142] {strides = array<i32>} : memref<96x128xf32, #tpu.memory_space<vmem>>, vector<1x16xf32>,
      %swap3A_144 = vector.shape_cast %swap3A_143 : vector<1x16xf32> to vector<16xf32>
      %swap3A_145 = vector.shape_cast %broadcast_in_dim3A_140 : vector<16xf32> to vector<1x16xf32>
      tpu.vector_store %arg13[%swap3A_141, %swap3A_142], %swap3A_145 {strides = array<i32>} : memref<96x128xf32, #tpu.memory_space<vmem>>, vector<1x16xf32>,
      %broadcast_in_dim3A_146 = arith.constant 0.000000e+00 : f32
      %broadcast_in_dim3A_147 = vector.broadcast %broadcast_in_dim3A_146 : f32 to vector<16xf32>
      %swap3A_148 = arith.index_cast %scan3A_125 : i32 to index
      %swap3A_149 = arith.constant 48 : index
      %swap3A_150 = tpu.vector_load %arg13[%swap3A_148, %swap3A_149] {strides = array<i32>} : memref<96x128xf32, #tpu.memory_space<vmem>>, vector<1x16xf32>,
      %swap3A_151 = vector.shape_cast %swap3A_150 : vector<1x16xf32> to vector<16xf32>
      %swap3A_152 = vector.shape_cast %broadcast_in_dim3A_147 : vector<16xf32> to vector<1x16xf32>
      tpu.vector_store %arg13[%swap3A_148, %swap3A_149], %swap3A_152 {strides = array<i32>} : memref<96x128xf32, #tpu.memory_space<vmem>>, vector<1x16xf32>,
      %broadcast_in_dim3A_153 = arith.constant 0.000000e+00 : f32
      %broadcast_in_dim3A_154 = vector.broadcast %broadcast_in_dim3A_153 : f32 to vector<16xf32>
      %swap3A_155 = arith.index_cast %scan3A_125 : i32 to index
      %swap3A_156 = arith.constant 64 : index
      %swap3A_157 = tpu.vector_load %arg13[%swap3A_155, %swap3A_156] {strides = array<i32>} : memref<96x128xf32, #tpu.memory_space<vmem>>, vector<1x16xf32>,
      %swap3A_158 = vector.shape_cast %swap3A_157 : vector<1x16xf32> to vector<16xf32>
      %swap3A_159 = vector.shape_cast %broadcast_in_dim3A_154 : vector<16xf32> to vector<1x16xf32>
      tpu.vector_store %arg13[%swap3A_155, %swap3A_156], %swap3A_159 {strides = array<i32>} : memref<96x128xf32, #tpu.memory_space<vmem>>, vector<1x16xf32>,
      %broadcast_in_dim3A_160 = arith.constant 0.000000e+00 : f32
      %broadcast_in_dim3A_161 = vector.broadcast %broadcast_in_dim3A_160 : f32 to vector<16xf32>
      %swap3A_162 = arith.index_cast %scan3A_125 : i32 to index
      %swap3A_163 = arith.constant 80 : index
      %swap3A_164 = tpu.vector_load %arg13[%swap3A_162, %swap3A_163] {strides = array<i32>} : memref<96x128xf32, #tpu.memory_space<vmem>>, vector<1x16xf32>,
      %swap3A_165 = vector.shape_cast %swap3A_164 : vector<1x16xf32> to vector<16xf32>
      %swap3A_166 = vector.shape_cast %broadcast_in_dim3A_161 : vector<16xf32> to vector<1x16xf32>
      tpu.vector_store %arg13[%swap3A_162, %swap3A_163], %swap3A_166 {strides = array<i32>} : memref<96x128xf32, #tpu.memory_space<vmem>>, vector<1x16xf32>,
      %broadcast_in_dim3A_167 = arith.constant 0.000000e+00 : f32
      %broadcast_in_dim3A_168 = vector.broadcast %broadcast_in_dim3A_167 : f32 to vector<16xf32>
      %swap3A_169 = arith.index_cast %scan3A_125 : i32 to index
      %swap3A_170 = arith.constant 96 : index
      %swap3A_171 = tpu.vector_load %arg13[%swap3A_169, %swap3A_170] {strides = array<i32>} : memref<96x128xf32, #tpu.memory_space<vmem>>, vector<1x16xf32>,
      %swap3A_172 = vector.shape_cast %swap3A_171 : vector<1x16xf32> to vector<16xf32>
      %swap3A_173 = vector.shape_cast %broadcast_in_dim3A_168 : vector<16xf32> to vector<1x16xf32>
      tpu.vector_store %arg13[%swap3A_169, %swap3A_170], %swap3A_173 {strides = array<i32>} : memref<96x128xf32, #tpu.memory_space<vmem>>, vector<1x16xf32>,
      %broadcast_in_dim3A_174 = arith.constant 0.000000e+00 : f32
      %broadcast_in_dim3A_175 = vector.broadcast %broadcast_in_dim3A_174 : f32 to vector<16xf32>
      %swap3A_176 = arith.index_cast %scan3A_125 : i32 to index
      %swap3A_177 = arith.constant 112 : index
      %swap3A_178 = tpu.vector_load %arg13[%swap3A_176, %swap3A_177] {strides = array<i32>} : memref<96x128xf32, #tpu.memory_space<vmem>>, vector<1x16xf32>,
      %swap3A_179 = vector.shape_cast %swap3A_178 : vector<1x16xf32> to vector<16xf32>
      %swap3A_180 = vector.shape_cast %broadcast_in_dim3A_175 : vector<16xf32> to vector<1x16xf32>
      tpu.vector_store %arg13[%swap3A_176, %swap3A_177], %swap3A_180 {strides = array<i32>} : memref<96x128xf32, #tpu.memory_space<vmem>>, vector<1x16xf32>,
      %scan3A_181 = arith.constant 0 : i32
      scf.yield %scan3A_181 : i32
    }
    %scan3A_5 = arith.constant 96 : i32
    %mul3A = arith.constant 640 : i32
    %mul3A_6 = arith.muli %arg1, %mul3A : i32
    %add3A = arith.constant 0 : i32
    %add3A_7 = arith.addi %mul3A_6, %add3A : i32
    "tpu.region"() ({
      %run_scoped3A_125 = tpu.sem_alloc : memref<!tpu.dma_semaphore, #tpu.memory_space<semaphore_mem>>
      %dma_start3A_126 = arith.constant 0 : i32
      %dma_start3A_127 = tpu.memref_slice %arg6[%add3A_7, %dma_start3A_126] : memref<10240x128xf32, #tpu.memory_space<vmem_shared>> -> memref<96x128xf32, #tpu.memory_space<vmem_shared>>
      %dma_start3A_128 = arith.constant 0 : i32
      %dma_start3A_129 = tpu.memref_slice %arg6[%add3A_7, %dma_start3A_128] : memref<10240x128xf32, #tpu.memory_space<vmem_shared>> -> memref<96x128xf32, #tpu.memory_space<vmem_shared>>
      tpu.enqueue_dma source(%arg13 : memref<96x128xf32, #tpu.memory_space<vmem>>) target(%dma_start3A_129 : memref<96x128xf32, #tpu.memory_space<vmem_shared>>) target_semaphore(%run_scoped3A_125 : memref<!tpu.dma_semaphore, #tpu.memory_space<semaphore_mem>>)
      %dma_wait3A_130 = arith.constant 0 : i32
      %dma_wait3A_131 = tpu.memref_slice %arg6[%add3A_7, %dma_wait3A_130] : memref<10240x128xf32, #tpu.memory_space<vmem_shared>> -> memref<96x128xf32, #tpu.memory_space<vmem_shared>>
      %dma_wait3A_132 = arith.constant 0 : i32
      %dma_wait3A_133 = tpu.memref_slice %arg6[%add3A_7, %dma_wait3A_132] : memref<10240x128xf32, #tpu.memory_space<vmem_shared>> -> memref<96x128xf32, #tpu.memory_space<vmem_shared>>
      tpu.wait_dma2 semaphore(%run_scoped3A_125 : memref<!tpu.dma_semaphore, #tpu.memory_space<semaphore_mem>>) src(%arg13 : memref<96x128xf32, #tpu.memory_space<vmem>>) dst(%dma_wait3A_133 : memref<96x128xf32, #tpu.memory_space<vmem_shared>>)
      tpu.yield
    }) : () -> ()
    %mul3A_8 = arith.constant 640 : i32
    %mul3A_9 = arith.muli %arg1, %mul3A_8 : i32
    %add3A_10 = arith.constant 96 : i32
    %add3A_11 = arith.addi %mul3A_9, %add3A_10 : i32
    "tpu.region"() ({
      %run_scoped3A_125 = tpu.sem_alloc : memref<!tpu.dma_semaphore, #tpu.memory_space<semaphore_mem>>
      %dma_start3A_126 = arith.constant 0 : i32
      %dma_start3A_127 = tpu.memref_slice %arg6[%add3A_11, %dma_start3A_126] : memref<10240x128xf32, #tpu.memory_space<vmem_shared>> -> memref<96x128xf32, #tpu.memory_space<vmem_shared>>
      %dma_start3A_128 = arith.constant 0 : i32
      %dma_start3A_129 = tpu.memref_slice %arg6[%add3A_11, %dma_start3A_128] : memref<10240x128xf32, #tpu.memory_space<vmem_shared>> -> memref<96x128xf32, #tpu.memory_space<vmem_shared>>
      tpu.enqueue_dma source(%arg13 : memref<96x128xf32, #tpu.memory_space<vmem>>) target(%dma_start3A_129 : memref<96x128xf32, #tpu.memory_space<vmem_shared>>) target_semaphore(%run_scoped3A_125 : memref<!tpu.dma_semaphore, #tpu.memory_space<semaphore_mem>>)
      %dma_wait3A_130 = arith.constant 0 : i32
      %dma_wait3A_131 = tpu.memref_slice %arg6[%add3A_11, %dma_wait3A_130] : memref<10240x128xf32, #tpu.memory_space<vmem_shared>> -> memref<96x128xf32, #tpu.memory_space<vmem_shared>>
      %dma_wait3A_132 = arith.constant 0 : i32
      %dma_wait3A_133 = tpu.memref_slice %arg6[%add3A_11, %dma_wait3A_132] : memref<10240x128xf32, #tpu.memory_space<vmem_shared>> -> memref<96x128xf32, #tpu.memory_space<vmem_shared>>
      tpu.wait_dma2 semaphore(%run_scoped3A_125 : memref<!tpu.dma_semaphore, #tpu.memory_space<semaphore_mem>>) src(%arg13 : memref<96x128xf32, #tpu.memory_space<vmem>>) dst(%dma_wait3A_133 : memref<96x128xf32, #tpu.memory_space<vmem_shared>>)
      tpu.yield
    }) : () -> ()
    %mul3A_12 = arith.constant 640 : i32
    %mul3A_13 = arith.muli %arg1, %mul3A_12 : i32
    %add3A_14 = arith.constant 192 : i32
    %add3A_15 = arith.addi %mul3A_13, %add3A_14 : i32
    "tpu.region"() ({
      %run_scoped3A_125 = tpu.sem_alloc : memref<!tpu.dma_semaphore, #tpu.memory_space<semaphore_mem>>
      %dma_start3A_126 = arith.constant 0 : i32
      %dma_start3A_127 = tpu.memref_slice %arg6[%add3A_15, %dma_start3A_126] : memref<10240x128xf32, #tpu.memory_space<vmem_shared>> -> memref<96x128xf32, #tpu.memory_space<vmem_shared>>
      %dma_start3A_128 = arith.constant 0 : i32
      %dma_start3A_129 = tpu.memref_slice %arg6[%add3A_15, %dma_start3A_128] : memref<10240x128xf32, #tpu.memory_space<vmem_shared>> -> memref<96x128xf32, #tpu.memory_space<vmem_shared>>
      tpu.enqueue_dma source(%arg13 : memref<96x128xf32, #tpu.memory_space<vmem>>) target(%dma_start3A_129 : memref<96x128xf32, #tpu.memory_space<vmem_shared>>) target_semaphore(%run_scoped3A_125 : memref<!tpu.dma_semaphore, #tpu.memory_space<semaphore_mem>>)
      %dma_wait3A_130 = arith.constant 0 : i32
      %dma_wait3A_131 = tpu.memref_slice %arg6[%add3A_15, %dma_wait3A_130] : memref<10240x128xf32, #tpu.memory_space<vmem_shared>> -> memref<96x128xf32, #tpu.memory_space<vmem_shared>>
      %dma_wait3A_132 = arith.constant 0 : i32
      %dma_wait3A_133 = tpu.memref_slice %arg6[%add3A_15, %dma_wait3A_132] : memref<10240x128xf32, #tpu.memory_space<vmem_shared>> -> memref<96x128xf32, #tpu.memory_space<vmem_shared>>
      tpu.wait_dma2 semaphore(%run_scoped3A_125 : memref<!tpu.dma_semaphore, #tpu.memory_space<semaphore_mem>>) src(%arg13 : memref<96x128xf32, #tpu.memory_space<vmem>>) dst(%dma_wait3A_133 : memref<96x128xf32, #tpu.memory_space<vmem_shared>>)
      tpu.yield
    }) : () -> ()
    %mul3A_16 = arith.constant 640 : i32
    %mul3A_17 = arith.muli %arg1, %mul3A_16 : i32
    %add3A_18 = arith.constant 288 : i32
    %add3A_19 = arith.addi %mul3A_17, %add3A_18 : i32
    "tpu.region"() ({
      %run_scoped3A_125 = tpu.sem_alloc : memref<!tpu.dma_semaphore, #tpu.memory_space<semaphore_mem>>
      %dma_start3A_126 = arith.constant 0 : i32
      %dma_start3A_127 = tpu.memref_slice %arg6[%add3A_19, %dma_start3A_126] : memref<10240x128xf32, #tpu.memory_space<vmem_shared>> -> memref<96x128xf32, #tpu.memory_space<vmem_shared>>
      %dma_start3A_128 = arith.constant 0 : i32
      %dma_start3A_129 = tpu.memref_slice %arg6[%add3A_19, %dma_start3A_128] : memref<10240x128xf32, #tpu.memory_space<vmem_shared>> -> memref<96x128xf32, #tpu.memory_space<vmem_shared>>
      tpu.enqueue_dma source(%arg13 : memref<96x128xf32, #tpu.memory_space<vmem>>) target(%dma_start3A_129 : memref<96x128xf32, #tpu.memory_space<vmem_shared>>) target_semaphore(%run_scoped3A_125 : memref<!tpu.dma_semaphore, #tpu.memory_space<semaphore_mem>>)
      %dma_wait3A_130 = arith.constant 0 : i32
      %dma_wait3A_131 = tpu.memref_slice %arg6[%add3A_19, %dma_wait3A_130] : memref<10240x128xf32, #tpu.memory_space<vmem_shared>> -> memref<96x128xf32, #tpu.memory_space<vmem_shared>>
      %dma_wait3A_132 = arith.constant 0 : i32
      %dma_wait3A_133 = tpu.memref_slice %arg6[%add3A_19, %dma_wait3A_132] : memref<10240x128xf32, #tpu.memory_space<vmem_shared>> -> memref<96x128xf32, #tpu.memory_space<vmem_shared>>
      tpu.wait_dma2 semaphore(%run_scoped3A_125 : memref<!tpu.dma_semaphore, #tpu.memory_space<semaphore_mem>>) src(%arg13 : memref<96x128xf32, #tpu.memory_space<vmem>>) dst(%dma_wait3A_133 : memref<96x128xf32, #tpu.memory_space<vmem_shared>>)
      tpu.yield
    }) : () -> ()
    %mul3A_20 = arith.constant 640 : i32
    %mul3A_21 = arith.muli %arg1, %mul3A_20 : i32
    %add3A_22 = arith.constant 384 : i32
    %add3A_23 = arith.addi %mul3A_21, %add3A_22 : i32
    "tpu.region"() ({
      %run_scoped3A_125 = tpu.sem_alloc : memref<!tpu.dma_semaphore, #tpu.memory_space<semaphore_mem>>
      %dma_start3A_126 = arith.constant 0 : i32
      %dma_start3A_127 = tpu.memref_slice %arg6[%add3A_23, %dma_start3A_126] : memref<10240x128xf32, #tpu.memory_space<vmem_shared>> -> memref<96x128xf32, #tpu.memory_space<vmem_shared>>
      %dma_start3A_128 = arith.constant 0 : i32
      %dma_start3A_129 = tpu.memref_slice %arg6[%add3A_23, %dma_start3A_128] : memref<10240x128xf32, #tpu.memory_space<vmem_shared>> -> memref<96x128xf32, #tpu.memory_space<vmem_shared>>
      tpu.enqueue_dma source(%arg13 : memref<96x128xf32, #tpu.memory_space<vmem>>) target(%dma_start3A_129 : memref<96x128xf32, #tpu.memory_space<vmem_shared>>) target_semaphore(%run_scoped3A_125 : memref<!tpu.dma_semaphore, #tpu.memory_space<semaphore_mem>>)
      %dma_wait3A_130 = arith.constant 0 : i32
      %dma_wait3A_131 = tpu.memref_slice %arg6[%add3A_23, %dma_wait3A_130] : memref<10240x128xf32, #tpu.memory_space<vmem_shared>> -> memref<96x128xf32, #tpu.memory_space<vmem_shared>>
      %dma_wait3A_132 = arith.constant 0 : i32
      %dma_wait3A_133 = tpu.memref_slice %arg6[%add3A_23, %dma_wait3A_132] : memref<10240x128xf32, #tpu.memory_space<vmem_shared>> -> memref<96x128xf32, #tpu.memory_space<vmem_shared>>
      tpu.wait_dma2 semaphore(%run_scoped3A_125 : memref<!tpu.dma_semaphore, #tpu.memory_space<semaphore_mem>>) src(%arg13 : memref<96x128xf32, #tpu.memory_space<vmem>>) dst(%dma_wait3A_133 : memref<96x128xf32, #tpu.memory_space<vmem_shared>>)
      tpu.yield
    }) : () -> ()
    %mul3A_24 = arith.constant 640 : i32
    %mul3A_25 = arith.muli %arg1, %mul3A_24 : i32
    %add3A_26 = arith.constant 480 : i32
    %add3A_27 = arith.addi %mul3A_25, %add3A_26 : i32
    "tpu.region"() ({
      %run_scoped3A_125 = tpu.sem_alloc : memref<!tpu.dma_semaphore, #tpu.memory_space<semaphore_mem>>
      %dma_start3A_126 = arith.constant 0 : i32
      %dma_start3A_127 = tpu.memref_slice %arg6[%add3A_27, %dma_start3A_126] : memref<10240x128xf32, #tpu.memory_space<vmem_shared>> -> memref<96x128xf32, #tpu.memory_space<vmem_shared>>
      %dma_start3A_128 = arith.constant 0 : i32
      %dma_start3A_129 = tpu.memref_slice %arg6[%add3A_27, %dma_start3A_128] : memref<10240x128xf32, #tpu.memory_space<vmem_shared>> -> memref<96x128xf32, #tpu.memory_space<vmem_shared>>
      tpu.enqueue_dma source(%arg13 : memref<96x128xf32, #tpu.memory_space<vmem>>) target(%dma_start3A_129 : memref<96x128xf32, #tpu.memory_space<vmem_shared>>) target_semaphore(%run_scoped3A_125 : memref<!tpu.dma_semaphore, #tpu.memory_space<semaphore_mem>>)
      %dma_wait3A_130 = arith.constant 0 : i32
      %dma_wait3A_131 = tpu.memref_slice %arg6[%add3A_27, %dma_wait3A_130] : memref<10240x128xf32, #tpu.memory_space<vmem_shared>> -> memref<96x128xf32, #tpu.memory_space<vmem_shared>>
      %dma_wait3A_132 = arith.constant 0 : i32
      %dma_wait3A_133 = tpu.memref_slice %arg6[%add3A_27, %dma_wait3A_132] : memref<10240x128xf32, #tpu.memory_space<vmem_shared>> -> memref<96x128xf32, #tpu.memory_space<vmem_shared>>
      tpu.wait_dma2 semaphore(%run_scoped3A_125 : memref<!tpu.dma_semaphore, #tpu.memory_space<semaphore_mem>>) src(%arg13 : memref<96x128xf32, #tpu.memory_space<vmem>>) dst(%dma_wait3A_133 : memref<96x128xf32, #tpu.memory_space<vmem_shared>>)
      tpu.yield
    }) : () -> ()
    %mul3A_28 = arith.constant 640 : i32
    %mul3A_29 = arith.muli %arg1, %mul3A_28 : i32
    %add3A_30 = arith.constant 640 : i32
    %add3A_31 = arith.addi %mul3A_29, %add3A_30 : i32
    %sub3A = arith.constant 64 : i32
    %sub3A_32 = arith.subi %add3A_31, %sub3A : i32
    "tpu.region"() ({
      %run_scoped3A_125 = tpu.sem_alloc : memref<!tpu.dma_semaphore, #tpu.memory_space<semaphore_mem>>
      %dma_start3A_126 = arith.constant 0 : i32
      %dma_start3A_127 = arith.constant 0 : i32
      %dma_start3A_128 = tpu.memref_slice %arg13[%dma_start3A_126, %dma_start3A_127] : memref<96x128xf32, #tpu.memory_space<vmem>> -> memref<64x128xf32, #tpu.memory_space<vmem>>
      %dma_start3A_129 = arith.constant 0 : i32
      %dma_start3A_130 = tpu.memref_slice %arg6[%sub3A_32, %dma_start3A_129] : memref<10240x128xf32, #tpu.memory_space<vmem_shared>> -> memref<64x128xf32, #tpu.memory_space<vmem_shared>>
      %dma_start3A_131 = arith.constant 0 : i32
      %dma_start3A_132 = tpu.memref_slice %arg6[%sub3A_32, %dma_start3A_131] : memref<10240x128xf32, #tpu.memory_space<vmem_shared>> -> memref<64x128xf32, #tpu.memory_space<vmem_shared>>
      %dma_start3A_133 = arith.constant 0 : i32
      %dma_start3A_134 = arith.constant 0 : i32
      %dma_start3A_135 = tpu.memref_slice %arg13[%dma_start3A_133, %dma_start3A_134] : memref<96x128xf32, #tpu.memory_space<vmem>> -> memref<64x128xf32, #tpu.memory_space<vmem>>
      tpu.enqueue_dma source(%dma_start3A_135 : memref<64x128xf32, #tpu.memory_space<vmem>>) target(%dma_start3A_132 : memref<64x128xf32, #tpu.memory_space<vmem_shared>>) target_semaphore(%run_scoped3A_125 : memref<!tpu.dma_semaphore, #tpu.memory_space<semaphore_mem>>)
      %dma_wait3A_136 = arith.constant 0 : i32
      %dma_wait3A_137 = arith.constant 0 : i32
      %dma_wait3A_138 = tpu.memref_slice %arg13[%dma_wait3A_136, %dma_wait3A_137] : memref<96x128xf32, #tpu.memory_space<vmem>> -> memref<64x128xf32, #tpu.memory_space<vmem>>
      %dma_wait3A_139 = arith.constant 0 : i32
      %dma_wait3A_140 = tpu.memref_slice %arg6[%sub3A_32, %dma_wait3A_139] : memref<10240x128xf32, #tpu.memory_space<vmem_shared>> -> memref<64x128xf32, #tpu.memory_space<vmem_shared>>
      %dma_wait3A_141 = arith.constant 0 : i32
      %dma_wait3A_142 = tpu.memref_slice %arg6[%sub3A_32, %dma_wait3A_141] : memref<10240x128xf32, #tpu.memory_space<vmem_shared>> -> memref<64x128xf32, #tpu.memory_space<vmem_shared>>
      %dma_wait3A_143 = arith.constant 0 : i32
      %dma_wait3A_144 = arith.constant 0 : i32
      %dma_wait3A_145 = tpu.memref_slice %arg13[%dma_wait3A_143, %dma_wait3A_144] : memref<96x128xf32, #tpu.memory_space<vmem>> -> memref<64x128xf32, #tpu.memory_space<vmem>>
      tpu.wait_dma2 semaphore(%run_scoped3A_125 : memref<!tpu.dma_semaphore, #tpu.memory_space<semaphore_mem>>) src(%dma_wait3A_145 : memref<64x128xf32, #tpu.memory_space<vmem>>) dst(%dma_wait3A_142 : memref<64x128xf32, #tpu.memory_space<vmem_shared>>)
      tpu.yield
    }) : () -> ()
    %barrier3A = arith.constant 0 : index
    tpu.barrier barrier_id(%barrier3A)
    %mul3A_33 = arith.constant 16 : i32
    %mul3A_34 = arith.muli %arg0, %mul3A_33 : i32
    %add3A_35 = arith.addi %mul3A_34, %arg1 : i32
    %mul3A_36 = arith.constant 209 : i32
    %mul3A_37 = arith.muli %add3A_35, %mul3A_36 : i32
    "tpu.region"() ({
      %run_scoped3A_125 = tpu.sem_alloc : memref<!tpu.dma_semaphore, #tpu.memory_space<semaphore_mem>>
      %dma_start3A_126 = arith.constant 0 : i32
      %dma_start3A_127 = tpu.memref_slice %arg2[%mul3A_37, %dma_start3A_126] : memref<6688x96xi32, #tpu.memory_space<hbm>> -> memref<1x96xi32, #tpu.memory_space<hbm>>
      %dma_start3A_128 = tpu.memref_squeeze %dma_start3A_127 : memref<1x96xi32, #tpu.memory_space<hbm>> -> memref<96xi32, #tpu.memory_space<hbm>>
      %dma_start3A_129 = arith.constant 0 : i32
      %dma_start3A_130 = tpu.memref_slice %arg2[%mul3A_37, %dma_start3A_129] : memref<6688x96xi32, #tpu.memory_space<hbm>> -> memref<1x96xi32, #tpu.memory_space<hbm>>
      %dma_start3A_131 = tpu.memref_squeeze %dma_start3A_130 : memref<1x96xi32, #tpu.memory_space<hbm>> -> memref<96xi32, #tpu.memory_space<hbm>>
      tpu.enqueue_dma source(%dma_start3A_131 : memref<96xi32, #tpu.memory_space<hbm>>) target(%arg7 : memref<96xi32, #tpu.memory_space<vmem>>) target_semaphore(%run_scoped3A_125 : memref<!tpu.dma_semaphore, #tpu.memory_space<semaphore_mem>>)
      %dma_wait3A_132 = arith.constant 0 : i32
      %dma_wait3A_133 = tpu.memref_slice %arg2[%mul3A_37, %dma_wait3A_132] : memref<6688x96xi32, #tpu.memory_space<hbm>> -> memref<1x96xi32, #tpu.memory_space<hbm>>
      %dma_wait3A_134 = tpu.memref_squeeze %dma_wait3A_133 : memref<1x96xi32, #tpu.memory_space<hbm>> -> memref<96xi32, #tpu.memory_space<hbm>>
      %dma_wait3A_135 = arith.constant 0 : i32
      %dma_wait3A_136 = tpu.memref_slice %arg2[%mul3A_37, %dma_wait3A_135] : memref<6688x96xi32, #tpu.memory_space<hbm>> -> memref<1x96xi32, #tpu.memory_space<hbm>>
      %dma_wait3A_137 = tpu.memref_squeeze %dma_wait3A_136 : memref<1x96xi32, #tpu.memory_space<hbm>> -> memref<96xi32, #tpu.memory_space<hbm>>
      tpu.wait_dma2 semaphore(%run_scoped3A_125 : memref<!tpu.dma_semaphore, #tpu.memory_space<semaphore_mem>>) src(%dma_wait3A_137 : memref<96xi32, #tpu.memory_space<hbm>>) dst(%arg7 : memref<96xi32, #tpu.memory_space<vmem>>)
      tpu.yield
    }) : () -> ()
    "tpu.region"() ({
      %run_scoped3A_125 = tpu.sem_alloc : memref<!tpu.dma_semaphore, #tpu.memory_space<semaphore_mem>>
      %dma_start3A_126 = arith.constant 0 : i32
      %dma_start3A_127 = arith.constant 0 : i32
      %dma_start3A_128 = tpu.memref_slice %arg3[%mul3A_37, %dma_start3A_126, %dma_start3A_127] : memref<6688x1x96xi32, #tpu.memory_space<hbm>> -> memref<1x1x96xi32, #tpu.memory_space<hbm>>
      %dma_start3A_129 = tpu.memref_squeeze %dma_start3A_128 : memref<1x1x96xi32, #tpu.memory_space<hbm>> -> memref<1x96xi32, #tpu.memory_space<hbm>>
      %dma_start3A_130 = arith.constant 0 : i32
      %dma_start3A_131 = arith.constant 0 : i32
      %dma_start3A_132 = tpu.memref_slice %arg3[%mul3A_37, %dma_start3A_130, %dma_start3A_131] : memref<6688x1x96xi32, #tpu.memory_space<hbm>> -> memref<1x1x96xi32, #tpu.memory_space<hbm>>
      %dma_start3A_133 = tpu.memref_squeeze %dma_start3A_132 : memref<1x1x96xi32, #tpu.memory_space<hbm>> -> memref<1x96xi32, #tpu.memory_space<hbm>>
      tpu.enqueue_dma source(%dma_start3A_133 : memref<1x96xi32, #tpu.memory_space<hbm>>) target(%arg10 : memref<1x96xi32, #tpu.memory_space<vmem>>) target_semaphore(%run_scoped3A_125 : memref<!tpu.dma_semaphore, #tpu.memory_space<semaphore_mem>>)
      %dma_wait3A_134 = arith.constant 0 : i32
      %dma_wait3A_135 = arith.constant 0 : i32
      %dma_wait3A_136 = tpu.memref_slice %arg3[%mul3A_37, %dma_wait3A_134, %dma_wait3A_135] : memref<6688x1x96xi32, #tpu.memory_space<hbm>> -> memref<1x1x96xi32, #tpu.memory_space<hbm>>
      %dma_wait3A_137 = tpu.memref_squeeze %dma_wait3A_136 : memref<1x1x96xi32, #tpu.memory_space<hbm>> -> memref<1x96xi32, #tpu.memory_space<hbm>>
      %dma_wait3A_138 = arith.constant 0 : i32
      %dma_wait3A_139 = arith.constant 0 : i32
      %dma_wait3A_140 = tpu.memref_slice %arg3[%mul3A_37, %dma_wait3A_138, %dma_wait3A_139] : memref<6688x1x96xi32, #tpu.memory_space<hbm>> -> memref<1x1x96xi32, #tpu.memory_space<hbm>>
      %dma_wait3A_141 = tpu.memref_squeeze %dma_wait3A_140 : memref<1x1x96xi32, #tpu.memory_space<hbm>> -> memref<1x96xi32, #tpu.memory_space<hbm>>
      tpu.wait_dma2 semaphore(%run_scoped3A_125 : memref<!tpu.dma_semaphore, #tpu.memory_space<semaphore_mem>>) src(%dma_wait3A_141 : memref<1x96xi32, #tpu.memory_space<hbm>>) dst(%arg10 : memref<1x96xi32, #tpu.memory_space<vmem>>)
      tpu.yield
    }) : () -> ()
    %add3A_38 = arith.constant 1 : i32
    %add3A_39 = arith.addi %mul3A_37, %add3A_38 : i32
    %dma_start3A = arith.constant 0 : i32
    %dma_start3A_40 = tpu.memref_slice %arg2[%add3A_39, %dma_start3A] : memref<6688x96xi32, #tpu.memory_space<hbm>> -> memref<1x96xi32, #tpu.memory_space<hbm>>
    %dma_start3A_41 = tpu.memref_squeeze %dma_start3A_40 : memref<1x96xi32, #tpu.memory_space<hbm>> -> memref<96xi32, #tpu.memory_space<hbm>>
    %dma_start3A_42 = arith.constant 0 : i32
    %dma_start3A_43 = tpu.memref_slice %arg2[%add3A_39, %dma_start3A_42] : memref<6688x96xi32, #tpu.memory_space<hbm>> -> memref<1x96xi32, #tpu.memory_space<hbm>>
    %dma_start3A_44 = tpu.memref_squeeze %dma_start3A_43 : memref<1x96xi32, #tpu.memory_space<hbm>> -> memref<96xi32, #tpu.memory_space<hbm>>
    tpu.enqueue_dma source(%dma_start3A_44 : memref<96xi32, #tpu.memory_space<hbm>>) target(%arg8 : memref<96xi32, #tpu.memory_space<vmem>>) target_semaphore(%arg17 : memref<!tpu.dma_semaphore, #tpu.memory_space<semaphore_mem>>)
    %add3A_45 = arith.constant 1 : i32
    %add3A_46 = arith.addi %mul3A_37, %add3A_45 : i32
    %dma_start3A_47 = arith.constant 0 : i32
    %dma_start3A_48 = arith.constant 0 : i32
    %dma_start3A_49 = tpu.memref_slice %arg3[%add3A_46, %dma_start3A_47, %dma_start3A_48] : memref<6688x1x96xi32, #tpu.memory_space<hbm>> -> memref<1x1x96xi32, #tpu.memory_space<hbm>>
    %dma_start3A_50 = tpu.memref_squeeze %dma_start3A_49 : memref<1x1x96xi32, #tpu.memory_space<hbm>> -> memref<1x96xi32, #tpu.memory_space<hbm>>
    %dma_start3A_51 = arith.constant 0 : i32
    %dma_start3A_52 = arith.constant 0 : i32
    %dma_start3A_53 = tpu.memref_slice %arg3[%add3A_46, %dma_start3A_51, %dma_start3A_52] : memref<6688x1x96xi32, #tpu.memory_space<hbm>> -> memref<1x1x96xi32, #tpu.memory_space<hbm>>
    %dma_start3A_54 = tpu.memref_squeeze %dma_start3A_53 : memref<1x1x96xi32, #tpu.memory_space<hbm>> -> memref<1x96xi32, #tpu.memory_space<hbm>>
    tpu.enqueue_dma source(%dma_start3A_54 : memref<1x96xi32, #tpu.memory_space<hbm>>) target(%arg11 : memref<1x96xi32, #tpu.memory_space<vmem>>) target_semaphore(%arg17 : memref<!tpu.dma_semaphore, #tpu.memory_space<semaphore_mem>>)
    %add3A_55 = arith.constant 2 : i32
    %add3A_56 = arith.addi %mul3A_37, %add3A_55 : i32
    %dma_start3A_57 = arith.constant 0 : i32
    %dma_start3A_58 = tpu.memref_slice %arg2[%add3A_56, %dma_start3A_57] : memref<6688x96xi32, #tpu.memory_space<hbm>> -> memref<1x96xi32, #tpu.memory_space<hbm>>
    %dma_start3A_59 = tpu.memref_squeeze %dma_start3A_58 : memref<1x96xi32, #tpu.memory_space<hbm>> -> memref<96xi32, #tpu.memory_space<hbm>>
    %dma_start3A_60 = arith.constant 0 : i32
    %dma_start3A_61 = tpu.memref_slice %arg2[%add3A_56, %dma_start3A_60] : memref<6688x96xi32, #tpu.memory_space<hbm>> -> memref<1x96xi32, #tpu.memory_space<hbm>>
    %dma_start3A_62 = tpu.memref_squeeze %dma_start3A_61 : memref<1x96xi32, #tpu.memory_space<hbm>> -> memref<96xi32, #tpu.memory_space<hbm>>
    tpu.enqueue_dma source(%dma_start3A_62 : memref<96xi32, #tpu.memory_space<hbm>>) target(%arg9 : memref<96xi32, #tpu.memory_space<vmem>>) target_semaphore(%arg18 : memref<!tpu.dma_semaphore, #tpu.memory_space<semaphore_mem>>)
    %add3A_63 = arith.constant 2 : i32
    %add3A_64 = arith.addi %mul3A_37, %add3A_63 : i32
    %dma_start3A_65 = arith.constant 0 : i32
    %dma_start3A_66 = arith.constant 0 : i32
    %dma_start3A_67 = tpu.memref_slice %arg3[%add3A_64, %dma_start3A_65, %dma_start3A_66] : memref<6688x1x96xi32, #tpu.memory_space<hbm>> -> memref<1x1x96xi32, #tpu.memory_space<hbm>>
    %dma_start3A_68 = tpu.memref_squeeze %dma_start3A_67 : memref<1x1x96xi32, #tpu.memory_space<hbm>> -> memref<1x96xi32, #tpu.memory_space<hbm>>
    %dma_start3A_69 = arith.constant 0 : i32
    %dma_start3A_70 = arith.constant 0 : i32
    %dma_start3A_71 = tpu.memref_slice %arg3[%add3A_64, %dma_start3A_69, %dma_start3A_70] : memref<6688x1x96xi32, #tpu.memory_space<hbm>> -> memref<1x1x96xi32, #tpu.memory_space<hbm>>
    %dma_start3A_72 = tpu.memref_squeeze %dma_start3A_71 : memref<1x1x96xi32, #tpu.memory_space<hbm>> -> memref<1x96xi32, #tpu.memory_space<hbm>>
    tpu.enqueue_dma source(%dma_start3A_72 : memref<1x96xi32, #tpu.memory_space<hbm>>) target(%arg12 : memref<1x96xi32, #tpu.memory_space<vmem>>) target_semaphore(%arg18 : memref<!tpu.dma_semaphore, #tpu.memory_space<semaphore_mem>>)
    %dma_start3A_73 = arith.constant 0 : i32
    %dma_start3A_74 = arith.constant 0 : i32
    %dma_start3A_75 = tpu.memref_slice %arg4[%dma_start3A_73, %dma_start3A_74] : memref<10000x128xf32, #tpu.memory_space<hbm>> -> memref<10000x128xf32, #tpu.memory_space<hbm>>
    tpu.enqueue_indirect_dma source(%dma_start3A_75 : memref<10000x128xf32, #tpu.memory_space<hbm>>) target(%arg13 : memref<96x128xf32, #tpu.memory_space<vmem>>) offsets(%arg7 : memref<96xi32, #tpu.memory_space<vmem>>) semaphore(%arg19 : memref<!tpu.dma_semaphore, #tpu.memory_space<semaphore_mem>>)
    %dma_wait3A = arith.constant 0 : i32
    %dma_wait3A_76 = tpu.memref_slice %arg2[%mul3A_37, %dma_wait3A] : memref<6688x96xi32, #tpu.memory_space<hbm>> -> memref<1x96xi32, #tpu.memory_space<hbm>>
    %dma_wait3A_77 = tpu.memref_squeeze %dma_wait3A_76 : memref<1x96xi32, #tpu.memory_space<hbm>> -> memref<96xi32, #tpu.memory_space<hbm>>
    %dma_wait3A_78 = arith.constant 0 : i32
    %dma_wait3A_79 = tpu.memref_slice %arg2[%mul3A_37, %dma_wait3A_78] : memref<6688x96xi32, #tpu.memory_space<hbm>> -> memref<1x96xi32, #tpu.memory_space<hbm>>
    %dma_wait3A_80 = tpu.memref_squeeze %dma_wait3A_79 : memref<1x96xi32, #tpu.memory_space<hbm>> -> memref<96xi32, #tpu.memory_space<hbm>>
    tpu.wait_dma2 semaphore(%arg17 : memref<!tpu.dma_semaphore, #tpu.memory_space<semaphore_mem>>) src(%dma_wait3A_80 : memref<96xi32, #tpu.memory_space<hbm>>) dst(%arg8 : memref<96xi32, #tpu.memory_space<vmem>>)
    %dma_wait3A_81 = arith.constant 0 : i32
    %dma_wait3A_82 = arith.constant 0 : i32
    %dma_wait3A_83 = tpu.memref_slice %arg3[%mul3A_37, %dma_wait3A_81, %dma_wait3A_82] : memref<6688x1x96xi32, #tpu.memory_space<hbm>> -> memref<1x1x96xi32, #tpu.memory_space<hbm>>
    %dma_wait3A_84 = tpu.memref_squeeze %dma_wait3A_83 : memref<1x1x96xi32, #tpu.memory_space<hbm>> -> memref<1x96xi32, #tpu.memory_space<hbm>>
    %dma_wait3A_85 = arith.constant 0 : i32
    %dma_wait3A_86 = arith.constant 0 : i32
    %dma_wait3A_87 = tpu.memref_slice %arg3[%mul3A_37, %dma_wait3A_85, %dma_wait3A_86] : memref<6688x1x96xi32, #tpu.memory_space<hbm>> -> memref<1x1x96xi32, #tpu.memory_space<hbm>>
    %dma_wait3A_88 = tpu.memref_squeeze %dma_wait3A_87 : memref<1x1x96xi32, #tpu.memory_space<hbm>> -> memref<1x96xi32, #tpu.memory_space<hbm>>
    tpu.wait_dma2 semaphore(%arg17 : memref<!tpu.dma_semaphore, #tpu.memory_space<semaphore_mem>>) src(%dma_wait3A_88 : memref<1x96xi32, #tpu.memory_space<hbm>>) dst(%arg11 : memref<1x96xi32, #tpu.memory_space<vmem>>)
    %dma_start3A_89 = arith.constant 0 : i32
    %dma_start3A_90 = arith.constant 0 : i32
    %dma_start3A_91 = tpu.memref_slice %arg4[%dma_start3A_89, %dma_start3A_90] : memref<10000x128xf32, #tpu.memory_space<hbm>> -> memref<10000x128xf32, #tpu.memory_space<hbm>>
    tpu.enqueue_indirect_dma source(%dma_start3A_91 : memref<10000x128xf32, #tpu.memory_space<hbm>>) target(%arg14 : memref<96x128xf32, #tpu.memory_space<vmem>>) offsets(%arg8 : memref<96xi32, #tpu.memory_space<vmem>>) semaphore(%arg20 : memref<!tpu.dma_semaphore, #tpu.memory_space<semaphore_mem>>)
    %scan3A_92 = arith.constant 0 : i32
    %scan3A_93 = arith.constant 0 : i32
    %scan3A_94 = arith.constant 69 : i32
    %scan3A_95 = arith.addi %scan3A_93, %scan3A_94 : i32
    %scan3A_96 = arith.constant 1 : i32
    %scan3A_97 = scf.for %scan3A_125 = %scan3A_93 to %scan3A_95 step %scan3A_96 iter_args(%scan3A_126 = %scan3A_92) -> (i32)  : i32 {
      %mul3A_127 = arith.constant 3 : i32
      %mul3A_128 = arith.muli %mul3A_127, %scan3A_125 : i32
      %add3A_129 = arith.constant 0 : i32
      %add3A_130 = arith.addi %mul3A_128, %add3A_129 : i32
      %dma_wait3A_131 = arith.constant 0 : i32
      %dma_wait3A_132 = arith.constant 0 : i32
      %dma_wait3A_133 = tpu.memref_slice %arg4[%dma_wait3A_131, %dma_wait3A_132] : memref<10000x128xf32, #tpu.memory_space<hbm>> -> memref<10000x128xf32, #tpu.memory_space<hbm>>
      tpu.wait_indirect_dma semaphore(%arg19 : memref<!tpu.dma_semaphore, #tpu.memory_space<semaphore_mem>>) src(%dma_wait3A_133 : memref<10000x128xf32, #tpu.memory_space<hbm>>) dst(%arg13 : memref<96x128xf32, #tpu.memory_space<vmem>>)
      %run_scoped3A_134 = arith.constant 0 : i32
      "tpu.region"() ({
        %run_scoped3A_262 = tpu.sem_alloc : memref<!tpu.dma_semaphore, #tpu.memory_space<semaphore_mem>>
        %dma_start3A_263 = arith.constant 0 : i32
        %dma_start3A_264 = tpu.memref_slice %arg10[%run_scoped3A_134, %dma_start3A_263] : memref<1x96xi32, #tpu.memory_space<vmem>> -> memref<1x96xi32, #tpu.memory_space<vmem>>
        %dma_start3A_265 = tpu.memref_squeeze %dma_start3A_264 : memref<1x96xi32, #tpu.memory_space<vmem>> -> memref<96xi32, #tpu.memory_space<vmem>>
        %dma_start3A_266 = arith.constant 0 : i32
        %dma_start3A_267 = arith.constant 0 : i32
        %dma_start3A_268 = tpu.memref_slice %arg6[%dma_start3A_266, %dma_start3A_267] : memref<10240x128xf32, #tpu.memory_space<vmem_shared>> -> memref<10240x128xf32, #tpu.memory_space<vmem_shared>>
        tpu.enqueue_indirect_dma source(%arg13 : memref<96x128xf32, #tpu.memory_space<vmem>>) target(%dma_start3A_268 : memref<10240x128xf32, #tpu.memory_space<vmem_shared>>) offsets(%dma_start3A_265 : memref<96xi32, #tpu.memory_space<vmem>>) semaphore(%run_scoped3A_262 : memref<!tpu.dma_semaphore, #tpu.memory_space<semaphore_mem>>) {add = true}
        %dma_wait3A_269 = arith.constant 0 : i32
        %dma_wait3A_270 = tpu.memref_slice %arg10[%run_scoped3A_134, %dma_wait3A_269] : memref<1x96xi32, #tpu.memory_space<vmem>> -> memref<1x96xi32, #tpu.memory_space<vmem>>
        %dma_wait3A_271 = tpu.memref_squeeze %dma_wait3A_270 : memref<1x96xi32, #tpu.memory_space<vmem>> -> memref<96xi32, #tpu.memory_space<vmem>>
        %dma_wait3A_272 = arith.constant 0 : i32
        %dma_wait3A_273 = arith.constant 0 : i32
        %dma_wait3A_274 = tpu.memref_slice %arg6[%dma_wait3A_272, %dma_wait3A_273] : memref<10240x128xf32, #tpu.memory_space<vmem_shared>> -> memref<10240x128xf32, #tpu.memory_space<vmem_shared>>
        tpu.wait_indirect_dma semaphore(%run_scoped3A_262 : memref<!tpu.dma_semaphore, #tpu.memory_space<semaphore_mem>>) src(%arg13 : memref<96x128xf32, #tpu.memory_space<vmem>>) dst(%dma_wait3A_274 : memref<10240x128xf32, #tpu.memory_space<vmem_shared>>)
        tpu.yield
      }) : () -> ()
      %add3A_135 = arith.constant 3 : i32
      %add3A_136 = arith.addi %add3A_130, %add3A_135 : i32
      %min3A = arith.constant 208 : i32
      %min3A_137 = arith.minsi %add3A_136, %min3A : i32
      %add3A_138 = arith.addi %mul3A_37, %min3A_137 : i32
      %dma_start3A_139 = arith.constant 0 : i32
      %dma_start3A_140 = tpu.memref_slice %arg2[%add3A_138, %dma_start3A_139] : memref<6688x96xi32, #tpu.memory_space<hbm>> -> memref<1x96xi32, #tpu.memory_space<hbm>>
      %dma_start3A_141 = tpu.memref_squeeze %dma_start3A_140 : memref<1x96xi32, #tpu.memory_space<hbm>> -> memref<96xi32, #tpu.memory_space<hbm>>
      %dma_start3A_142 = arith.constant 0 : i32
      %dma_start3A_143 = tpu.memref_slice %arg2[%add3A_138, %dma_start3A_142] : memref<6688x96xi32, #tpu.memory_space<hbm>> -> memref<1x96xi32, #tpu.memory_space<hbm>>
      %dma_start3A_144 = tpu.memref_squeeze %dma_start3A_143 : memref<1x96xi32, #tpu.memory_space<hbm>> -> memref<96xi32, #tpu.memory_space<hbm>>
      tpu.enqueue_dma source(%dma_start3A_144 : memref<96xi32, #tpu.memory_space<hbm>>) target(%arg7 : memref<96xi32, #tpu.memory_space<vmem>>) target_semaphore(%arg16 : memref<!tpu.dma_semaphore, #tpu.memory_space<semaphore_mem>>)
      %add3A_145 = arith.addi %mul3A_37, %min3A_137 : i32
      %dma_start3A_146 = arith.constant 0 : i32
      %dma_start3A_147 = arith.constant 0 : i32
      %dma_start3A_148 = tpu.memref_slice %arg3[%add3A_145, %dma_start3A_146, %dma_start3A_147] : memref<6688x1x96xi32, #tpu.memory_space<hbm>> -> memref<1x1x96xi32, #tpu.memory_space<hbm>>
      %dma_start3A_149 = tpu.memref_squeeze %dma_start3A_148 : memref<1x1x96xi32, #tpu.memory_space<hbm>> -> memref<1x96xi32, #tpu.memory_space<hbm>>
      %dma_start3A_150 = arith.constant 0 : i32
      %dma_start3A_151 = arith.constant 0 : i32
      %dma_start3A_152 = tpu.memref_slice %arg3[%add3A_145, %dma_start3A_150, %dma_start3A_151] : memref<6688x1x96xi32, #tpu.memory_space<hbm>> -> memref<1x1x96xi32, #tpu.memory_space<hbm>>
      %dma_start3A_153 = tpu.memref_squeeze %dma_start3A_152 : memref<1x1x96xi32, #tpu.memory_space<hbm>> -> memref<1x96xi32, #tpu.memory_space<hbm>>
      tpu.enqueue_dma source(%dma_start3A_153 : memref<1x96xi32, #tpu.memory_space<hbm>>) target(%arg10 : memref<1x96xi32, #tpu.memory_space<vmem>>) target_semaphore(%arg16 : memref<!tpu.dma_semaphore, #tpu.memory_space<semaphore_mem>>)
      %dma_wait3A_154 = arith.constant 0 : i32
      %dma_wait3A_155 = tpu.memref_slice %arg2[%mul3A_37, %dma_wait3A_154] : memref<6688x96xi32, #tpu.memory_space<hbm>> -> memref<1x96xi32, #tpu.memory_space<hbm>>
      %dma_wait3A_156 = tpu.memref_squeeze %dma_wait3A_155 : memref<1x96xi32, #tpu.memory_space<hbm>> -> memref<96xi32, #tpu.memory_space<hbm>>
      %dma_wait3A_157 = arith.constant 0 : i32
      %dma_wait3A_158 = tpu.memref_slice %arg2[%mul3A_37, %dma_wait3A_157] : memref<6688x96xi32, #tpu.memory_space<hbm>> -> memref<1x96xi32, #tpu.memory_space<hbm>>
      %dma_wait3A_159 = tpu.memref_squeeze %dma_wait3A_158 : memref<1x96xi32, #tpu.memory_space<hbm>> -> memref<96xi32, #tpu.memory_space<hbm>>
      tpu.wait_dma2 semaphore(%arg18 : memref<!tpu.dma_semaphore, #tpu.memory_space<semaphore_mem>>) src(%dma_wait3A_159 : memref<96xi32, #tpu.memory_space<hbm>>) dst(%arg9 : memref<96xi32, #tpu.memory_space<vmem>>)
      %dma_wait3A_160 = arith.constant 0 : i32
      %dma_wait3A_161 = arith.constant 0 : i32
      %dma_wait3A_162 = tpu.memref_slice %arg3[%mul3A_37, %dma_wait3A_160, %dma_wait3A_161] : memref<6688x1x96xi32, #tpu.memory_space<hbm>> -> memref<1x1x96xi32, #tpu.memory_space<hbm>>
      %dma_wait3A_163 = tpu.memref_squeeze %dma_wait3A_162 : memref<1x1x96xi32, #tpu.memory_space<hbm>> -> memref<1x96xi32, #tpu.memory_space<hbm>>
      %dma_wait3A_164 = arith.constant 0 : i32
      %dma_wait3A_165 = arith.constant 0 : i32
      %dma_wait3A_166 = tpu.memref_slice %arg3[%mul3A_37, %dma_wait3A_164, %dma_wait3A_165] : memref<6688x1x96xi32, #tpu.memory_space<hbm>> -> memref<1x1x96xi32, #tpu.memory_space<hbm>>
      %dma_wait3A_167 = tpu.memref_squeeze %dma_wait3A_166 : memref<1x1x96xi32, #tpu.memory_space<hbm>> -> memref<1x96xi32, #tpu.memory_space<hbm>>
      tpu.wait_dma2 semaphore(%arg18 : memref<!tpu.dma_semaphore, #tpu.memory_space<semaphore_mem>>) src(%dma_wait3A_167 : memref<1x96xi32, #tpu.memory_space<hbm>>) dst(%arg12 : memref<1x96xi32, #tpu.memory_space<vmem>>)
      %dma_start3A_168 = arith.constant 0 : i32
      %dma_start3A_169 = arith.constant 0 : i32
      %dma_start3A_170 = tpu.memref_slice %arg4[%dma_start3A_168, %dma_start3A_169] : memref<10000x128xf32, #tpu.memory_space<hbm>> -> memref<10000x128xf32, #tpu.memory_space<hbm>>
      tpu.enqueue_indirect_dma source(%dma_start3A_170 : memref<10000x128xf32, #tpu.memory_space<hbm>>) target(%arg15 : memref<96x128xf32, #tpu.memory_space<vmem>>) offsets(%arg9 : memref<96xi32, #tpu.memory_space<vmem>>) semaphore(%arg21 : memref<!tpu.dma_semaphore, #tpu.memory_space<semaphore_mem>>)
      %mul3A_171 = arith.constant 3 : i32
      %mul3A_172 = arith.muli %mul3A_171, %scan3A_125 : i32
      %add3A_173 = arith.constant 1 : i32
      %add3A_174 = arith.addi %mul3A_172, %add3A_173 : i32
      %dma_wait3A_175 = arith.constant 0 : i32
      %dma_wait3A_176 = arith.constant 0 : i32
      %dma_wait3A_177 = tpu.memref_slice %arg4[%dma_wait3A_175, %dma_wait3A_176] : memref<10000x128xf32, #tpu.memory_space<hbm>> -> memref<10000x128xf32, #tpu.memory_space<hbm>>
      tpu.wait_indirect_dma semaphore(%arg20 : memref<!tpu.dma_semaphore, #tpu.memory_space<semaphore_mem>>) src(%dma_wait3A_177 : memref<10000x128xf32, #tpu.memory_space<hbm>>) dst(%arg14 : memref<96x128xf32, #tpu.memory_space<vmem>>)
      %run_scoped3A_178 = arith.constant 0 : i32
      "tpu.region"() ({
        %run_scoped3A_262 = tpu.sem_alloc : memref<!tpu.dma_semaphore, #tpu.memory_space<semaphore_mem>>
        %dma_start3A_263 = arith.constant 0 : i32
        %dma_start3A_264 = tpu.memref_slice %arg11[%run_scoped3A_178, %dma_start3A_263] : memref<1x96xi32, #tpu.memory_space<vmem>> -> memref<1x96xi32, #tpu.memory_space<vmem>>
        %dma_start3A_265 = tpu.memref_squeeze %dma_start3A_264 : memref<1x96xi32, #tpu.memory_space<vmem>> -> memref<96xi32, #tpu.memory_space<vmem>>
        %dma_start3A_266 = arith.constant 0 : i32
        %dma_start3A_267 = arith.constant 0 : i32
        %dma_start3A_268 = tpu.memref_slice %arg6[%dma_start3A_266, %dma_start3A_267] : memref<10240x128xf32, #tpu.memory_space<vmem_shared>> -> memref<10240x128xf32, #tpu.memory_space<vmem_shared>>
        tpu.enqueue_indirect_dma source(%arg14 : memref<96x128xf32, #tpu.memory_space<vmem>>) target(%dma_start3A_268 : memref<10240x128xf32, #tpu.memory_space<vmem_shared>>) offsets(%dma_start3A_265 : memref<96xi32, #tpu.memory_space<vmem>>) semaphore(%run_scoped3A_262 : memref<!tpu.dma_semaphore, #tpu.memory_space<semaphore_mem>>) {add = true}
        %dma_wait3A_269 = arith.constant 0 : i32
        %dma_wait3A_270 = tpu.memref_slice %arg11[%run_scoped3A_178, %dma_wait3A_269] : memref<1x96xi32, #tpu.memory_space<vmem>> -> memref<1x96xi32, #tpu.memory_space<vmem>>
        %dma_wait3A_271 = tpu.memref_squeeze %dma_wait3A_270 : memref<1x96xi32, #tpu.memory_space<vmem>> -> memref<96xi32, #tpu.memory_space<vmem>>
        %dma_wait3A_272 = arith.constant 0 : i32
        %dma_wait3A_273 = arith.constant 0 : i32
        %dma_wait3A_274 = tpu.memref_slice %arg6[%dma_wait3A_272, %dma_wait3A_273] : memref<10240x128xf32, #tpu.memory_space<vmem_shared>> -> memref<10240x128xf32, #tpu.memory_space<vmem_shared>>
        tpu.wait_indirect_dma semaphore(%run_scoped3A_262 : memref<!tpu.dma_semaphore, #tpu.memory_space<semaphore_mem>>) src(%arg14 : memref<96x128xf32, #tpu.memory_space<vmem>>) dst(%dma_wait3A_274 : memref<10240x128xf32, #tpu.memory_space<vmem_shared>>)
        tpu.yield
      }) : () -> ()
      %add3A_179 = arith.constant 3 : i32
      %add3A_180 = arith.addi %add3A_174, %add3A_179 : i32
      %min3A_181 = arith.constant 208 : i32
      %min3A_182 = arith.minsi %add3A_180, %min3A_181 : i32
      %add3A_183 = arith.addi %mul3A_37, %min3A_182 : i32
      %dma_start3A_184 = arith.constant 0 : i32
      %dma_start3A_185 = tpu.memref_slice %arg2[%add3A_183, %dma_start3A_184] : memref<6688x96xi32, #tpu.memory_space<hbm>> -> memref<1x96xi32, #tpu.memory_space<hbm>>
      %dma_start3A_186 = tpu.memref_squeeze %dma_start3A_185 : memref<1x96xi32, #tpu.memory_space<hbm>> -> memref<96xi32, #tpu.memory_space<hbm>>
      %dma_start3A_187 = arith.constant 0 : i32
      %dma_start3A_188 = tpu.memref_slice %arg2[%add3A_183, %dma_start3A_187] : memref<6688x96xi32, #tpu.memory_space<hbm>> -> memref<1x96xi32, #tpu.memory_space<hbm>>
      %dma_start3A_189 = tpu.memref_squeeze %dma_start3A_188 : memref<1x96xi32, #tpu.memory_space<hbm>> -> memref<96xi32, #tpu.memory_space<hbm>>
      tpu.enqueue_dma source(%dma_start3A_189 : memref<96xi32, #tpu.memory_space<hbm>>) target(%arg8 : memref<96xi32, #tpu.memory_space<vmem>>) target_semaphore(%arg17 : memref<!tpu.dma_semaphore, #tpu.memory_space<semaphore_mem>>)
      %add3A_190 = arith.addi %mul3A_37, %min3A_182 : i32
      %dma_start3A_191 = arith.constant 0 : i32
      %dma_start3A_192 = arith.constant 0 : i32
      %dma_start3A_193 = tpu.memref_slice %arg3[%add3A_190, %dma_start3A_191, %dma_start3A_192] : memref<6688x1x96xi32, #tpu.memory_space<hbm>> -> memref<1x1x96xi32, #tpu.memory_space<hbm>>
      %dma_start3A_194 = tpu.memref_squeeze %dma_start3A_193 : memref<1x1x96xi32, #tpu.memory_space<hbm>> -> memref<1x96xi32, #tpu.memory_space<hbm>>
      %dma_start3A_195 = arith.constant 0 : i32
      %dma_start3A_196 = arith.constant 0 : i32
      %dma_start3A_197 = tpu.memref_slice %arg3[%add3A_190, %dma_start3A_195, %dma_start3A_196] : memref<6688x1x96xi32, #tpu.memory_space<hbm>> -> memref<1x1x96xi32, #tpu.memory_space<hbm>>
      %dma_start3A_198 = tpu.memref_squeeze %dma_start3A_197 : memref<1x1x96xi32, #tpu.memory_space<hbm>> -> memref<1x96xi32, #tpu.memory_space<hbm>>
      tpu.enqueue_dma source(%dma_start3A_198 : memref<1x96xi32, #tpu.memory_space<hbm>>) target(%arg11 : memref<1x96xi32, #tpu.memory_space<vmem>>) target_semaphore(%arg17 : memref<!tpu.dma_semaphore, #tpu.memory_space<semaphore_mem>>)
      %dma_wait3A_199 = arith.constant 0 : i32
      %dma_wait3A_200 = tpu.memref_slice %arg2[%mul3A_37, %dma_wait3A_199] : memref<6688x96xi32, #tpu.memory_space<hbm>> -> memref<1x96xi32, #tpu.memory_space<hbm>>
      %dma_wait3A_201 = tpu.memref_squeeze %dma_wait3A_200 : memref<1x96xi32, #tpu.memory_space<hbm>> -> memref<96xi32, #tpu.memory_space<hbm>>
      %dma_wait3A_202 = arith.constant 0 : i32
      %dma_wait3A_203 = tpu.memref_slice %arg2[%mul3A_37, %dma_wait3A_202] : memref<6688x96xi32, #tpu.memory_space<hbm>> -> memref<1x96xi32, #tpu.memory_space<hbm>>
      %dma_wait3A_204 = tpu.memref_squeeze %dma_wait3A_203 : memref<1x96xi32, #tpu.memory_space<hbm>> -> memref<96xi32, #tpu.memory_space<hbm>>
      tpu.wait_dma2 semaphore(%arg16 : memref<!tpu.dma_semaphore, #tpu.memory_space<semaphore_mem>>) src(%dma_wait3A_204 : memref<96xi32, #tpu.memory_space<hbm>>) dst(%arg7 : memref<96xi32, #tpu.memory_space<vmem>>)
      %dma_wait3A_205 = arith.constant 0 : i32
      %dma_wait3A_206 = arith.constant 0 : i32
      %dma_wait3A_207 = tpu.memref_slice %arg3[%mul3A_37, %dma_wait3A_205, %dma_wait3A_206] : memref<6688x1x96xi32, #tpu.memory_space<hbm>> -> memref<1x1x96xi32, #tpu.memory_space<hbm>>
      %dma_wait3A_208 = tpu.memref_squeeze %dma_wait3A_207 : memref<1x1x96xi32, #tpu.memory_space<hbm>> -> memref<1x96xi32, #tpu.memory_space<hbm>>
      %dma_wait3A_209 = arith.constant 0 : i32
      %dma_wait3A_210 = arith.constant 0 : i32
      %dma_wait3A_211 = tpu.memref_slice %arg3[%mul3A_37, %dma_wait3A_209, %dma_wait3A_210] : memref<6688x1x96xi32, #tpu.memory_space<hbm>> -> memref<1x1x96xi32, #tpu.memory_space<hbm>>
      %dma_wait3A_212 = tpu.memref_squeeze %dma_wait3A_211 : memref<1x1x96xi32, #tpu.memory_space<hbm>> -> memref<1x96xi32, #tpu.memory_space<hbm>>
      tpu.wait_dma2 semaphore(%arg16 : memref<!tpu.dma_semaphore, #tpu.memory_space<semaphore_mem>>) src(%dma_wait3A_212 : memref<1x96xi32, #tpu.memory_space<hbm>>) dst(%arg10 : memref<1x96xi32, #tpu.memory_space<vmem>>)
      %dma_start3A_213 = arith.constant 0 : i32
      %dma_start3A_214 = arith.constant 0 : i32
      %dma_start3A_215 = tpu.memref_slice %arg4[%dma_start3A_213, %dma_start3A_214] : memref<10000x128xf32, #tpu.memory_space<hbm>> -> memref<10000x128xf32, #tpu.memory_space<hbm>>
      tpu.enqueue_indirect_dma source(%dma_start3A_215 : memref<10000x128xf32, #tpu.memory_space<hbm>>) target(%arg13 : memref<96x128xf32, #tpu.memory_space<vmem>>) offsets(%arg7 : memref<96xi32, #tpu.memory_space<vmem>>) semaphore(%arg19 : memref<!tpu.dma_semaphore, #tpu.memory_space<semaphore_mem>>)
      %mul3A_216 = arith.constant 3 : i32
      %mul3A_217 = arith.muli %mul3A_216, %scan3A_125 : i32
      %add3A_218 = arith.constant 2 : i32
      %add3A_219 = arith.addi %mul3A_217, %add3A_218 : i32
      %dma_wait3A_220 = arith.constant 0 : i32
      %dma_wait3A_221 = arith.constant 0 : i32
      %dma_wait3A_222 = tpu.memref_slice %arg4[%dma_wait3A_220, %dma_wait3A_221] : memref<10000x128xf32, #tpu.memory_space<hbm>> -> memref<10000x128xf32, #tpu.memory_space<hbm>>
      tpu.wait_indirect_dma semaphore(%arg21 : memref<!tpu.dma_semaphore, #tpu.memory_space<semaphore_mem>>) src(%dma_wait3A_222 : memref<10000x128xf32, #tpu.memory_space<hbm>>) dst(%arg15 : memref<96x128xf32, #tpu.memory_space<vmem>>)
      %run_scoped3A_223 = arith.constant 0 : i32
      "tpu.region"() ({
        %run_scoped3A_262 = tpu.sem_alloc : memref<!tpu.dma_semaphore, #tpu.memory_space<semaphore_mem>>
        %dma_start3A_263 = arith.constant 0 : i32
        %dma_start3A_264 = tpu.memref_slice %arg12[%run_scoped3A_223, %dma_start3A_263] : memref<1x96xi32, #tpu.memory_space<vmem>> -> memref<1x96xi32, #tpu.memory_space<vmem>>
        %dma_start3A_265 = tpu.memref_squeeze %dma_start3A_264 : memref<1x96xi32, #tpu.memory_space<vmem>> -> memref<96xi32, #tpu.memory_space<vmem>>
        %dma_start3A_266 = arith.constant 0 : i32
        %dma_start3A_267 = arith.constant 0 : i32
        %dma_start3A_268 = tpu.memref_slice %arg6[%dma_start3A_266, %dma_start3A_267] : memref<10240x128xf32, #tpu.memory_space<vmem_shared>> -> memref<10240x128xf32, #tpu.memory_space<vmem_shared>>
        tpu.enqueue_indirect_dma source(%arg15 : memref<96x128xf32, #tpu.memory_space<vmem>>) target(%dma_start3A_268 : memref<10240x128xf32, #tpu.memory_space<vmem_shared>>) offsets(%dma_start3A_265 : memref<96xi32, #tpu.memory_space<vmem>>) semaphore(%run_scoped3A_262 : memref<!tpu.dma_semaphore, #tpu.memory_space<semaphore_mem>>) {add = true}
        %dma_wait3A_269 = arith.constant 0 : i32
        %dma_wait3A_270 = tpu.memref_slice %arg12[%run_scoped3A_223, %dma_wait3A_269] : memref<1x96xi32, #tpu.memory_space<vmem>> -> memref<1x96xi32, #tpu.memory_space<vmem>>
        %dma_wait3A_271 = tpu.memref_squeeze %dma_wait3A_270 : memref<1x96xi32, #tpu.memory_space<vmem>> -> memref<96xi32, #tpu.memory_space<vmem>>
        %dma_wait3A_272 = arith.constant 0 : i32
        %dma_wait3A_273 = arith.constant 0 : i32
        %dma_wait3A_274 = tpu.memref_slice %arg6[%dma_wait3A_272, %dma_wait3A_273] : memref<10240x128xf32, #tpu.memory_space<vmem_shared>> -> memref<10240x128xf32, #tpu.memory_space<vmem_shared>>
        tpu.wait_indirect_dma semaphore(%run_scoped3A_262 : memref<!tpu.dma_semaphore, #tpu.memory_space<semaphore_mem>>) src(%arg15 : memref<96x128xf32, #tpu.memory_space<vmem>>) dst(%dma_wait3A_274 : memref<10240x128xf32, #tpu.memory_space<vmem_shared>>)
        tpu.yield
      }) : () -> ()
      %add3A_224 = arith.constant 3 : i32
      %add3A_225 = arith.addi %add3A_219, %add3A_224 : i32
      %min3A_226 = arith.constant 208 : i32
      %min3A_227 = arith.minsi %add3A_225, %min3A_226 : i32
      %add3A_228 = arith.addi %mul3A_37, %min3A_227 : i32
      %dma_start3A_229 = arith.constant 0 : i32
      %dma_start3A_230 = tpu.memref_slice %arg2[%add3A_228, %dma_start3A_229] : memref<6688x96xi32, #tpu.memory_space<hbm>> -> memref<1x96xi32, #tpu.memory_space<hbm>>
      %dma_start3A_231 = tpu.memref_squeeze %dma_start3A_230 : memref<1x96xi32, #tpu.memory_space<hbm>> -> memref<96xi32, #tpu.memory_space<hbm>>
      %dma_start3A_232 = arith.constant 0 : i32
      %dma_start3A_233 = tpu.memref_slice %arg2[%add3A_228, %dma_start3A_232] : memref<6688x96xi32, #tpu.memory_space<hbm>> -> memref<1x96xi32, #tpu.memory_space<hbm>>
      %dma_start3A_234 = tpu.memref_squeeze %dma_start3A_233 : memref<1x96xi32, #tpu.memory_space<hbm>> -> memref<96xi32, #tpu.memory_space<hbm>>
      tpu.enqueue_dma source(%dma_start3A_234 : memref<96xi32, #tpu.memory_space<hbm>>) target(%arg9 : memref<96xi32, #tpu.memory_space<vmem>>) target_semaphore(%arg18 : memref<!tpu.dma_semaphore, #tpu.memory_space<semaphore_mem>>)
      %add3A_235 = arith.addi %mul3A_37, %min3A_227 : i32
      %dma_start3A_236 = arith.constant 0 : i32
      %dma_start3A_237 = arith.constant 0 : i32
      %dma_start3A_238 = tpu.memref_slice %arg3[%add3A_235, %dma_start3A_236, %dma_start3A_237] : memref<6688x1x96xi32, #tpu.memory_space<hbm>> -> memref<1x1x96xi32, #tpu.memory_space<hbm>>
      %dma_start3A_239 = tpu.memref_squeeze %dma_start3A_238 : memref<1x1x96xi32, #tpu.memory_space<hbm>> -> memref<1x96xi32, #tpu.memory_space<hbm>>
      %dma_start3A_240 = arith.constant 0 : i32
      %dma_start3A_241 = arith.constant 0 : i32
      %dma_start3A_242 = tpu.memref_slice %arg3[%add3A_235, %dma_start3A_240, %dma_start3A_241] : memref<6688x1x96xi32, #tpu.memory_space<hbm>> -> memref<1x1x96xi32, #tpu.memory_space<hbm>>
      %dma_start3A_243 = tpu.memref_squeeze %dma_start3A_242 : memref<1x1x96xi32, #tpu.memory_space<hbm>> -> memref<1x96xi32, #tpu.memory_space<hbm>>
      tpu.enqueue_dma source(%dma_start3A_243 : memref<1x96xi32, #tpu.memory_space<hbm>>) target(%arg12 : memref<1x96xi32, #tpu.memory_space<vmem>>) target_semaphore(%arg18 : memref<!tpu.dma_semaphore, #tpu.memory_space<semaphore_mem>>)
      %dma_wait3A_244 = arith.constant 0 : i32
      %dma_wait3A_245 = tpu.memref_slice %arg2[%mul3A_37, %dma_wait3A_244] : memref<6688x96xi32, #tpu.memory_space<hbm>> -> memref<1x96xi32, #tpu.memory_space<hbm>>
      %dma_wait3A_246 = tpu.memref_squeeze %dma_wait3A_245 : memref<1x96xi32, #tpu.memory_space<hbm>> -> memref<96xi32, #tpu.memory_space<hbm>>
      %dma_wait3A_247 = arith.constant 0 : i32
      %dma_wait3A_248 = tpu.memref_slice %arg2[%mul3A_37, %dma_wait3A_247] : memref<6688x96xi32, #tpu.memory_space<hbm>> -> memref<1x96xi32, #tpu.memory_space<hbm>>
      %dma_wait3A_249 = tpu.memref_squeeze %dma_wait3A_248 : memref<1x96xi32, #tpu.memory_space<hbm>> -> memref<96xi32, #tpu.memory_space<hbm>>
      tpu.wait_dma2 semaphore(%arg17 : memref<!tpu.dma_semaphore, #tpu.memory_space<semaphore_mem>>) src(%dma_wait3A_249 : memref<96xi32, #tpu.memory_space<hbm>>) dst(%arg8 : memref<96xi32, #tpu.memory_space<vmem>>)
      %dma_wait3A_250 = arith.constant 0 : i32
      %dma_wait3A_251 = arith.constant 0 : i32
      %dma_wait3A_252 = tpu.memref_slice %arg3[%mul3A_37, %dma_wait3A_250, %dma_wait3A_251] : memref<6688x1x96xi32, #tpu.memory_space<hbm>> -> memref<1x1x96xi32, #tpu.memory_space<hbm>>
      %dma_wait3A_253 = tpu.memref_squeeze %dma_wait3A_252 : memref<1x1x96xi32, #tpu.memory_space<hbm>> -> memref<1x96xi32, #tpu.memory_space<hbm>>
      %dma_wait3A_254 = arith.constant 0 : i32
      %dma_wait3A_255 = arith.constant 0 : i32
      %dma_wait3A_256 = tpu.memref_slice %arg3[%mul3A_37, %dma_wait3A_254, %dma_wait3A_255] : memref<6688x1x96xi32, #tpu.memory_space<hbm>> -> memref<1x1x96xi32, #tpu.memory_space<hbm>>
      %dma_wait3A_257 = tpu.memref_squeeze %dma_wait3A_256 : memref<1x1x96xi32, #tpu.memory_space<hbm>> -> memref<1x96xi32, #tpu.memory_space<hbm>>
      tpu.wait_dma2 semaphore(%arg17 : memref<!tpu.dma_semaphore, #tpu.memory_space<semaphore_mem>>) src(%dma_wait3A_257 : memref<1x96xi32, #tpu.memory_space<hbm>>) dst(%arg11 : memref<1x96xi32, #tpu.memory_space<vmem>>)
      %dma_start3A_258 = arith.constant 0 : i32
      %dma_start3A_259 = arith.constant 0 : i32
      %dma_start3A_260 = tpu.memref_slice %arg4[%dma_start3A_258, %dma_start3A_259] : memref<10000x128xf32, #tpu.memory_space<hbm>> -> memref<10000x128xf32, #tpu.memory_space<hbm>>
      tpu.enqueue_indirect_dma source(%dma_start3A_260 : memref<10000x128xf32, #tpu.memory_space<hbm>>) target(%arg14 : memref<96x128xf32, #tpu.memory_space<vmem>>) offsets(%arg8 : memref<96xi32, #tpu.memory_space<vmem>>) semaphore(%arg20 : memref<!tpu.dma_semaphore, #tpu.memory_space<semaphore_mem>>)
      %scan3A_261 = arith.constant 0 : i32
      scf.yield %scan3A_261 : i32
    }
    %scan3A_98 = arith.constant 69 : i32
    %dma_wait3A_99 = arith.constant 0 : i32
    %dma_wait3A_100 = arith.constant 0 : i32
    %dma_wait3A_101 = tpu.memref_slice %arg4[%dma_wait3A_99, %dma_wait3A_100] : memref<10000x128xf32, #tpu.memory_space<hbm>> -> memref<10000x128xf32, #tpu.memory_space<hbm>>
    tpu.wait_indirect_dma semaphore(%arg19 : memref<!tpu.dma_semaphore, #tpu.memory_space<semaphore_mem>>) src(%dma_wait3A_101 : memref<10000x128xf32, #tpu.memory_space<hbm>>) dst(%arg13 : memref<96x128xf32, #tpu.memory_space<vmem>>)
    %run_scoped3A = arith.constant 0 : i32
    "tpu.region"() ({
      %run_scoped3A_125 = tpu.sem_alloc : memref<!tpu.dma_semaphore, #tpu.memory_space<semaphore_mem>>
      %dma_start3A_126 = arith.constant 0 : i32
      %dma_start3A_127 = tpu.memref_slice %arg10[%run_scoped3A, %dma_start3A_126] : memref<1x96xi32, #tpu.memory_space<vmem>> -> memref<1x96xi32, #tpu.memory_space<vmem>>
      %dma_start3A_128 = tpu.memref_squeeze %dma_start3A_127 : memref<1x96xi32, #tpu.memory_space<vmem>> -> memref<96xi32, #tpu.memory_space<vmem>>
      %dma_start3A_129 = arith.constant 0 : i32
      %dma_start3A_130 = arith.constant 0 : i32
      %dma_start3A_131 = tpu.memref_slice %arg6[%dma_start3A_129, %dma_start3A_130] : memref<10240x128xf32, #tpu.memory_space<vmem_shared>> -> memref<10240x128xf32, #tpu.memory_space<vmem_shared>>
      tpu.enqueue_indirect_dma source(%arg13 : memref<96x128xf32, #tpu.memory_space<vmem>>) target(%dma_start3A_131 : memref<10240x128xf32, #tpu.memory_space<vmem_shared>>) offsets(%dma_start3A_128 : memref<96xi32, #tpu.memory_space<vmem>>) semaphore(%run_scoped3A_125 : memref<!tpu.dma_semaphore, #tpu.memory_space<semaphore_mem>>) {add = true}
      %dma_wait3A_132 = arith.constant 0 : i32
      %dma_wait3A_133 = tpu.memref_slice %arg10[%run_scoped3A, %dma_wait3A_132] : memref<1x96xi32, #tpu.memory_space<vmem>> -> memref<1x96xi32, #tpu.memory_space<vmem>>
      %dma_wait3A_134 = tpu.memref_squeeze %dma_wait3A_133 : memref<1x96xi32, #tpu.memory_space<vmem>> -> memref<96xi32, #tpu.memory_space<vmem>>
      %dma_wait3A_135 = arith.constant 0 : i32
      %dma_wait3A_136 = arith.constant 0 : i32
      %dma_wait3A_137 = tpu.memref_slice %arg6[%dma_wait3A_135, %dma_wait3A_136] : memref<10240x128xf32, #tpu.memory_space<vmem_shared>> -> memref<10240x128xf32, #tpu.memory_space<vmem_shared>>
      tpu.wait_indirect_dma semaphore(%run_scoped3A_125 : memref<!tpu.dma_semaphore, #tpu.memory_space<semaphore_mem>>) src(%arg13 : memref<96x128xf32, #tpu.memory_space<vmem>>) dst(%dma_wait3A_137 : memref<10240x128xf32, #tpu.memory_space<vmem_shared>>)
      tpu.yield
    }) : () -> ()
    %dma_wait3A_102 = arith.constant 0 : i32
    %dma_wait3A_103 = arith.constant 0 : i32
    %dma_wait3A_104 = tpu.memref_slice %arg4[%dma_wait3A_102, %dma_wait3A_103] : memref<10000x128xf32, #tpu.memory_space<hbm>> -> memref<10000x128xf32, #tpu.memory_space<hbm>>
    tpu.wait_indirect_dma semaphore(%arg20 : memref<!tpu.dma_semaphore, #tpu.memory_space<semaphore_mem>>) src(%dma_wait3A_104 : memref<10000x128xf32, #tpu.memory_space<hbm>>) dst(%arg14 : memref<96x128xf32, #tpu.memory_space<vmem>>)
    %run_scoped3A_105 = arith.constant 0 : i32
    "tpu.region"() ({
      %run_scoped3A_125 = tpu.sem_alloc : memref<!tpu.dma_semaphore, #tpu.memory_space<semaphore_mem>>
      %dma_start3A_126 = arith.constant 0 : i32
      %dma_start3A_127 = tpu.memref_slice %arg11[%run_scoped3A_105, %dma_start3A_126] : memref<1x96xi32, #tpu.memory_space<vmem>> -> memref<1x96xi32, #tpu.memory_space<vmem>>
      %dma_start3A_128 = tpu.memref_squeeze %dma_start3A_127 : memref<1x96xi32, #tpu.memory_space<vmem>> -> memref<96xi32, #tpu.memory_space<vmem>>
      %dma_start3A_129 = arith.constant 0 : i32
      %dma_start3A_130 = arith.constant 0 : i32
      %dma_start3A_131 = tpu.memref_slice %arg6[%dma_start3A_129, %dma_start3A_130] : memref<10240x128xf32, #tpu.memory_space<vmem_shared>> -> memref<10240x128xf32, #tpu.memory_space<vmem_shared>>
      tpu.enqueue_indirect_dma source(%arg14 : memref<96x128xf32, #tpu.memory_space<vmem>>) target(%dma_start3A_131 : memref<10240x128xf32, #tpu.memory_space<vmem_shared>>) offsets(%dma_start3A_128 : memref<96xi32, #tpu.memory_space<vmem>>) semaphore(%run_scoped3A_125 : memref<!tpu.dma_semaphore, #tpu.memory_space<semaphore_mem>>) {add = true}
      %dma_wait3A_132 = arith.constant 0 : i32
      %dma_wait3A_133 = tpu.memref_slice %arg11[%run_scoped3A_105, %dma_wait3A_132] : memref<1x96xi32, #tpu.memory_space<vmem>> -> memref<1x96xi32, #tpu.memory_space<vmem>>
      %dma_wait3A_134 = tpu.memref_squeeze %dma_wait3A_133 : memref<1x96xi32, #tpu.memory_space<vmem>> -> memref<96xi32, #tpu.memory_space<vmem>>
      %dma_wait3A_135 = arith.constant 0 : i32
      %dma_wait3A_136 = arith.constant 0 : i32
      %dma_wait3A_137 = tpu.memref_slice %arg6[%dma_wait3A_135, %dma_wait3A_136] : memref<10240x128xf32, #tpu.memory_space<vmem_shared>> -> memref<10240x128xf32, #tpu.memory_space<vmem_shared>>
      tpu.wait_indirect_dma semaphore(%run_scoped3A_125 : memref<!tpu.dma_semaphore, #tpu.memory_space<semaphore_mem>>) src(%arg14 : memref<96x128xf32, #tpu.memory_space<vmem>>) dst(%dma_wait3A_137 : memref<10240x128xf32, #tpu.memory_space<vmem_shared>>)
      tpu.yield
    }) : () -> ()
    %dma_wait3A_106 = arith.constant 0 : i32
    %dma_wait3A_107 = tpu.memref_slice %arg2[%mul3A_37, %dma_wait3A_106] : memref<6688x96xi32, #tpu.memory_space<hbm>> -> memref<1x96xi32, #tpu.memory_space<hbm>>
    %dma_wait3A_108 = tpu.memref_squeeze %dma_wait3A_107 : memref<1x96xi32, #tpu.memory_space<hbm>> -> memref<96xi32, #tpu.memory_space<hbm>>
    %dma_wait3A_109 = arith.constant 0 : i32
    %dma_wait3A_110 = tpu.memref_slice %arg2[%mul3A_37, %dma_wait3A_109] : memref<6688x96xi32, #tpu.memory_space<hbm>> -> memref<1x96xi32, #tpu.memory_space<hbm>>
    %dma_wait3A_111 = tpu.memref_squeeze %dma_wait3A_110 : memref<1x96xi32, #tpu.memory_space<hbm>> -> memref<96xi32, #tpu.memory_space<hbm>>
    tpu.wait_dma2 semaphore(%arg18 : memref<!tpu.dma_semaphore, #tpu.memory_space<semaphore_mem>>) src(%dma_wait3A_111 : memref<96xi32, #tpu.memory_space<hbm>>) dst(%arg9 : memref<96xi32, #tpu.memory_space<vmem>>)
    %dma_wait3A_112 = arith.constant 0 : i32
    %dma_wait3A_113 = arith.constant 0 : i32
    %dma_wait3A_114 = tpu.memref_slice %arg3[%mul3A_37, %dma_wait3A_112, %dma_wait3A_113] : memref<6688x1x96xi32, #tpu.memory_space<hbm>> -> memref<1x1x96xi32, #tpu.memory_space<hbm>>
    %dma_wait3A_115 = tpu.memref_squeeze %dma_wait3A_114 : memref<1x1x96xi32, #tpu.memory_space<hbm>> -> memref<1x96xi32, #tpu.memory_space<hbm>>
    %dma_wait3A_116 = arith.constant 0 : i32
    %dma_wait3A_117 = arith.constant 0 : i32
    %dma_wait3A_118 = tpu.memref_slice %arg3[%mul3A_37, %dma_wait3A_116, %dma_wait3A_117] : memref<6688x1x96xi32, #tpu.memory_space<hbm>> -> memref<1x1x96xi32, #tpu.memory_space<hbm>>
    %dma_wait3A_119 = tpu.memref_squeeze %dma_wait3A_118 : memref<1x1x96xi32, #tpu.memory_space<hbm>> -> memref<1x96xi32, #tpu.memory_space<hbm>>
    tpu.wait_dma2 semaphore(%arg18 : memref<!tpu.dma_semaphore, #tpu.memory_space<semaphore_mem>>) src(%dma_wait3A_119 : memref<1x96xi32, #tpu.memory_space<hbm>>) dst(%arg12 : memref<1x96xi32, #tpu.memory_space<vmem>>)
    %barrier3A_120 = arith.constant 0 : index
    tpu.barrier barrier_id(%barrier3A_120)
    %mul3A_121 = arith.constant 640 : i32
    %mul3A_122 = arith.muli %arg1, %mul3A_121 : i32
    %mul3A_123 = arith.constant 640 : i32
    %mul3A_124 = arith.muli %arg1, %mul3A_123 : i32
    "tpu.region"() ({
      %run_scoped3A_125 = tpu.sem_alloc : memref<!tpu.dma_semaphore, #tpu.memory_space<semaphore_mem>>
      %dma_start3A_126 = arith.constant 0 : i32
      %dma_start3A_127 = arith.constant 0 : i32
      %dma_start3A_128 = tpu.memref_slice %arg5[%arg0, %dma_start3A_126, %dma_start3A_127] : memref<2x10240x128xf32, #tpu.memory_space<hbm>> -> memref<1x10240x128xf32, #tpu.memory_space<hbm>>
      %dma_start3A_129 = tpu.memref_squeeze %dma_start3A_128 : memref<1x10240x128xf32, #tpu.memory_space<hbm>> -> memref<10240x128xf32, #tpu.memory_space<hbm>>
      %dma_start3A_130 = arith.constant 0 : i32
      %dma_start3A_131 = tpu.memref_slice %dma_start3A_129[%mul3A_124, %dma_start3A_130] : memref<10240x128xf32, #tpu.memory_space<hbm>> -> memref<640x128xf32, #tpu.memory_space<hbm>>
      %dma_start3A_132 = arith.constant 0 : i32
      %dma_start3A_133 = tpu.memref_slice %arg6[%mul3A_122, %dma_start3A_132] : memref<10240x128xf32, #tpu.memory_space<vmem_shared>> -> memref<640x128xf32, #tpu.memory_space<vmem_shared>>
      tpu.enqueue_dma source(%dma_start3A_133 : memref<640x128xf32, #tpu.memory_space<vmem_shared>>) target(%dma_start3A_131 : memref<640x128xf32, #tpu.memory_space<hbm>>) target_semaphore(%run_scoped3A_125 : memref<!tpu.dma_semaphore, #tpu.memory_space<semaphore_mem>>)
      %dma_wait3A_134 = arith.constant 0 : i32
      %dma_wait3A_135 = arith.constant 0 : i32
      %dma_wait3A_136 = tpu.memref_slice %arg5[%arg0, %dma_wait3A_134, %dma_wait3A_135] : memref<2x10240x128xf32, #tpu.memory_space<hbm>> -> memref<1x10240x128xf32, #tpu.memory_space<hbm>>
      %dma_wait3A_137 = tpu.memref_squeeze %dma_wait3A_136 : memref<1x10240x128xf32, #tpu.memory_space<hbm>> -> memref<10240x128xf32, #tpu.memory_space<hbm>>
      %dma_wait3A_138 = arith.constant 0 : i32
      %dma_wait3A_139 = tpu.memref_slice %dma_wait3A_137[%mul3A_124, %dma_wait3A_138] : memref<10240x128xf32, #tpu.memory_space<hbm>> -> memref<640x128xf32, #tpu.memory_space<hbm>>
      %dma_wait3A_140 = arith.constant 0 : i32
      %dma_wait3A_141 = tpu.memref_slice %arg6[%mul3A_122, %dma_wait3A_140] : memref<10240x128xf32, #tpu.memory_space<vmem_shared>> -> memref<640x128xf32, #tpu.memory_space<vmem_shared>>
      tpu.wait_dma2 semaphore(%run_scoped3A_125 : memref<!tpu.dma_semaphore, #tpu.memory_space<semaphore_mem>>) src(%dma_wait3A_141 : memref<640x128xf32, #tpu.memory_space<vmem_shared>>) dst(%dma_wait3A_139 : memref<640x128xf32, #tpu.memory_space<hbm>>)
      tpu.yield
    }) : () -> ()
    return
  }
}

module attributes {stable_mosaic.version = 14 : i64} {
  func.func @_deg_body(%arg0: i32, %arg1: memref<2x32000xi32, #tpu.memory_space<vmem>>, %arg2: memref<2x32000xi32, #tpu.memory_space<vmem>>, %arg3: memref<2x128x128xf32, #tpu.memory_space<vmem>>) attributes {dimension_semantics = [#tpu.dimension_semantics<arbitrary>], iteration_bounds = array<i64: 10>, scalar_prefetch = 0 : i64, scratch_operands = 0 : i64, tpu.core_type = #tpu.core_type<tc>, window_params = [{transform_indices = @transform_0, window_bounds = array<i64: 2, 32000>}, {transform_indices = @transform_1, window_bounds = array<i64: 2, 32000>}, {pipeline_mode = #tpu.pipeline_mode<synchronous>, transform_indices = @transform_2, window_bounds = array<i64: 2, 128, 128>}]} {
    %iota3A = tpu.iota {dimensions = array<i32: 0>} : vector<128x32000xi32>
    %eq3A = arith.constant 0 : i32
    %eq3A_0 = arith.cmpi eq, %arg0, %eq3A : i32
    %convert_element_type3A = arith.extui %eq3A_0 : i1 to i32
    %cond3A = arith.constant 0 : i32
    %cond3A_1 = arith.cmpi ne, %convert_element_type3A, %cond3A : i32
    scf.if %cond3A_1 {
      %broadcast_in_dim3A = arith.constant 0.000000e+00 : f32
      %broadcast_in_dim3A_62 = vector.broadcast %broadcast_in_dim3A : f32 to vector<2x128x128xf32>
      %swap3A_63 = arith.constant 0 : index
      %swap3A_64 = arith.constant 0 : index
      %swap3A_65 = arith.constant 0 : index
      %swap3A_66 = vector.load %arg3[%swap3A_63, %swap3A_64, %swap3A_65] : memref<2x128x128xf32, #tpu.memory_space<vmem>>, vector<2x128x128xf32>
      tpu.vector_store %arg3[%swap3A_63, %swap3A_64, %swap3A_65], %broadcast_in_dim3A_62 {strides = array<i32>} : memref<2x128x128xf32, #tpu.memory_space<vmem>>, vector<2x128x128xf32>,
    } else {
    }
    %get3A = arith.constant 1 : index
    %get3A_2 = arith.constant 0 : index
    %get3A_3 = vector.load %arg1[%get3A, %get3A_2] : memref<2x32000xi32, #tpu.memory_space<vmem>>, vector<1x32000xi32>
    %shift_right_arithmetic3A = arith.constant 7 : i32
    %shift_right_arithmetic3A_4 = vector.broadcast %shift_right_arithmetic3A : i32 to vector<1x32000xi32>
    %shift_right_arithmetic3A_5 = arith.shrsi %get3A_3, %shift_right_arithmetic3A_4 : vector<1x32000xi32>
    %and3A = arith.constant 127 : i32
    %and3A_6 = vector.broadcast %and3A : i32 to vector<1x32000xi32>
    %and3A_7 = arith.andi %get3A_3, %and3A_6 : vector<1x32000xi32>
    %eq3A_8 = vector.broadcast %shift_right_arithmetic3A_5 : vector<1x32000xi32> to vector<128x32000xi32>
    %eq3A_9 = arith.cmpi eq, %iota3A, %eq3A_8 : vector<128x32000xi32>
    %convert_element_type3A_10 = arith.extui %eq3A_9 : vector<128x32000xi1> to vector<128x32000xi32>
    %convert_element_type3A_11 = arith.sitofp %convert_element_type3A_10 : vector<128x32000xi32> to vector<128x32000xf32>
    %convert_element_type3A_12 = arith.truncf %convert_element_type3A_11 : vector<128x32000xf32> to vector<128x32000xbf16>
    %eq3A_13 = vector.broadcast %and3A_7 : vector<1x32000xi32> to vector<128x32000xi32>
    %eq3A_14 = arith.cmpi eq, %iota3A, %eq3A_13 : vector<128x32000xi32>
    %convert_element_type3A_15 = arith.extui %eq3A_14 : vector<128x32000xi1> to vector<128x32000xi32>
    %convert_element_type3A_16 = arith.sitofp %convert_element_type3A_15 : vector<128x32000xi32> to vector<128x32000xf32>
    %convert_element_type3A_17 = arith.truncf %convert_element_type3A_16 : vector<128x32000xf32> to vector<128x32000xbf16>
    %get3A_18 = arith.constant 0 : index
    %get3A_19 = arith.constant 0 : index
    %get3A_20 = arith.constant 0 : index
    %get3A_21 = vector.load %arg3[%get3A_18, %get3A_19, %get3A_20] : memref<2x128x128xf32, #tpu.memory_space<vmem>>, vector<1x128x128xf32>
    %get3A_22 = vector.shape_cast %get3A_21 : vector<1x128x128xf32> to vector<128x128xf32>
    %dot_general3A = arith.constant dense<0.000000e+00> : vector<128x128xf32>
    %dot_general3A_23 = tpu.matmul %convert_element_type3A_12, %convert_element_type3A_17, %dot_general3A {dimension_numbers = #tpu.dot_dimension_numbers<[1], [1], [0], [0], [0, 0, 1, 0], [], []>, transpose_lhs_hint = false} : vector<128x32000xbf16>, vector<128x32000xbf16>, vector<128x128xf32> -> vector<128x128xf32>
    %add3A = arith.addf %get3A_22, %dot_general3A_23 : vector<128x128xf32>
    %swap3A = arith.constant 0 : index
    %swap3A_24 = arith.constant 0 : index
    %swap3A_25 = arith.constant 0 : index
    %swap3A_26 = vector.load %arg3[%swap3A, %swap3A_24, %swap3A_25] : memref<2x128x128xf32, #tpu.memory_space<vmem>>, vector<1x128x128xf32>
    %swap3A_27 = vector.shape_cast %swap3A_26 : vector<1x128x128xf32> to vector<128x128xf32>
    %swap3A_28 = vector.shape_cast %add3A : vector<128x128xf32> to vector<1x128x128xf32>
    tpu.vector_store %arg3[%swap3A, %swap3A_24, %swap3A_25], %swap3A_28 {strides = array<i32>} : memref<2x128x128xf32, #tpu.memory_space<vmem>>, vector<1x128x128xf32>,
    %get3A_29 = arith.constant 1 : index
    %get3A_30 = arith.constant 0 : index
    %get3A_31 = vector.load %arg2[%get3A_29, %get3A_30] : memref<2x32000xi32, #tpu.memory_space<vmem>>, vector<1x32000xi32>
    %shift_right_arithmetic3A_32 = arith.constant 7 : i32
    %shift_right_arithmetic3A_33 = vector.broadcast %shift_right_arithmetic3A_32 : i32 to vector<1x32000xi32>
    %shift_right_arithmetic3A_34 = arith.shrsi %get3A_31, %shift_right_arithmetic3A_33 : vector<1x32000xi32>
    %and3A_35 = arith.constant 127 : i32
    %and3A_36 = vector.broadcast %and3A_35 : i32 to vector<1x32000xi32>
    %and3A_37 = arith.andi %get3A_31, %and3A_36 : vector<1x32000xi32>
    %eq3A_38 = vector.broadcast %shift_right_arithmetic3A_34 : vector<1x32000xi32> to vector<128x32000xi32>
    %eq3A_39 = arith.cmpi eq, %iota3A, %eq3A_38 : vector<128x32000xi32>
    %convert_element_type3A_40 = arith.extui %eq3A_39 : vector<128x32000xi1> to vector<128x32000xi32>
    %convert_element_type3A_41 = arith.sitofp %convert_element_type3A_40 : vector<128x32000xi32> to vector<128x32000xf32>
    %convert_element_type3A_42 = arith.truncf %convert_element_type3A_41 : vector<128x32000xf32> to vector<128x32000xbf16>
    %eq3A_43 = vector.broadcast %and3A_37 : vector<1x32000xi32> to vector<128x32000xi32>
    %eq3A_44 = arith.cmpi eq, %iota3A, %eq3A_43 : vector<128x32000xi32>
    %convert_element_type3A_45 = arith.extui %eq3A_44 : vector<128x32000xi1> to vector<128x32000xi32>
    %convert_element_type3A_46 = arith.sitofp %convert_element_type3A_45 : vector<128x32000xi32> to vector<128x32000xf32>
    %convert_element_type3A_47 = arith.truncf %convert_element_type3A_46 : vector<128x32000xf32> to vector<128x32000xbf16>
    %get3A_48 = arith.constant 1 : index
    %get3A_49 = arith.constant 0 : index
    %get3A_50 = arith.constant 0 : index
    %get3A_51 = vector.load %arg3[%get3A_48, %get3A_49, %get3A_50] : memref<2x128x128xf32, #tpu.memory_space<vmem>>, vector<1x128x128xf32>
    %get3A_52 = vector.shape_cast %get3A_51 : vector<1x128x128xf32> to vector<128x128xf32>
    %dot_general3A_53 = arith.constant dense<0.000000e+00> : vector<128x128xf32>
    %dot_general3A_54 = tpu.matmul %convert_element_type3A_42, %convert_element_type3A_47, %dot_general3A_53 {dimension_numbers = #tpu.dot_dimension_numbers<[1], [1], [0], [0], [0, 0, 1, 0], [], []>, transpose_lhs_hint = false} : vector<128x32000xbf16>, vector<128x32000xbf16>, vector<128x128xf32> -> vector<128x128xf32>
    %add3A_55 = arith.addf %get3A_52, %dot_general3A_54 : vector<128x128xf32>
    %swap3A_56 = arith.constant 1 : index
    %swap3A_57 = arith.constant 0 : index
    %swap3A_58 = arith.constant 0 : index
    %swap3A_59 = vector.load %arg3[%swap3A_56, %swap3A_57, %swap3A_58] : memref<2x128x128xf32, #tpu.memory_space<vmem>>, vector<1x128x128xf32>
    %swap3A_60 = vector.shape_cast %swap3A_59 : vector<1x128x128xf32> to vector<128x128xf32>
    %swap3A_61 = vector.shape_cast %add3A_55 : vector<128x128xf32> to vector<1x128x128xf32>
    tpu.vector_store %arg3[%swap3A_56, %swap3A_57, %swap3A_58], %swap3A_61 {strides = array<i32>} : memref<2x128x128xf32, #tpu.memory_space<vmem>>, vector<1x128x128xf32>,
    return
  }
  func.func @transform_0(%arg0: i32) -> (i32, i32) {
    %c0_i32 = arith.constant 0 : i32
    %c0_i32_0 = arith.constant 0 : i32
    return %c0_i32, %arg0 : i32, i32
  }
  func.func @transform_1(%arg0: i32) -> (i32, i32) {
    %c0_i32 = arith.constant 0 : i32
    %c0_i32_0 = arith.constant 0 : i32
    return %c0_i32, %arg0 : i32, i32
  }
  func.func @transform_2(%arg0: i32) -> (i32, i32, i32) {
    %c0_i32 = arith.constant 0 : i32
    %c0_i32_0 = arith.constant 0 : i32
    %c0_i32_1 = arith.constant 0 : i32
    %c0_i32_2 = arith.constant 0 : i32
    return %c0_i32, %c0_i32_0, %c0_i32_1 : i32, i32, i32
  }
}

module attributes {stable_mosaic.version = 14 : i64} {
  func.func @_tc_body(%arg0: i32, %arg1: memref<1x1000x128xf32, #tpu.memory_space<vmem>>, %arg2: memref<1x1000x128xf32, #tpu.memory_space<vmem>>, %arg3: memref<1000x1xf32, #tpu.memory_space<vmem>>, %arg4: memref<1000x1xf32, #tpu.memory_space<vmem>>, %arg5: memref<1000x128xf32, #tpu.memory_space<vmem>>, %arg6: memref<128x128xf32, #tpu.memory_space<vmem>>, %arg7: memref<128x128xf32, #tpu.memory_space<vmem>>, %arg8: memref<128x128xf32, #tpu.memory_space<vmem>>, %arg9: memref<128x128xf32, #tpu.memory_space<vmem>>, %arg10: memref<1x128xf32, #tpu.memory_space<vmem>>, %arg11: memref<1x128xf32, #tpu.memory_space<vmem>>, %arg12: memref<1000x128xf32, #tpu.memory_space<vmem>>) attributes {dimension_semantics = [#tpu.dimension_semantics<arbitrary>], iteration_bounds = array<i64: 10>, scalar_prefetch = 0 : i64, scratch_operands = 0 : i64, tpu.core_type = #tpu.core_type<tc>, window_params = [{transform_indices = @transform_0, window_bounds = array<i64: 1, 1000, 128>}, {transform_indices = @transform_1, window_bounds = array<i64: 1, 1000, 128>}, {transform_indices = @transform_2, window_bounds = array<i64: 1000, 1>}, {transform_indices = @transform_3, window_bounds = array<i64: 1000, 1>}, {transform_indices = @transform_4, window_bounds = array<i64: 1000, 128>}, {pipeline_mode = #tpu.pipeline_mode<synchronous>, transform_indices = @transform_5, window_bounds = array<i64: 128, 128>}, {pipeline_mode = #tpu.pipeline_mode<synchronous>, transform_indices = @transform_6, window_bounds = array<i64: 128, 128>}, {pipeline_mode = #tpu.pipeline_mode<synchronous>, transform_indices = @transform_7, window_bounds = array<i64: 128, 128>}, {pipeline_mode = #tpu.pipeline_mode<synchronous>, transform_indices = @transform_8, window_bounds = array<i64: 128, 128>}, {pipeline_mode = #tpu.pipeline_mode<synchronous>, transform_indices = @transform_9, window_bounds = array<i64: 1, 128>}, {pipeline_mode = #tpu.pipeline_mode<synchronous>, transform_indices = @transform_10, window_bounds = array<i64: 1, 128>}, {transform_indices = @transform_11, window_bounds = array<i64: 1000, 128>}]} {
    %get3A = arith.constant 0 : index
    %get3A_0 = arith.constant 0 : index
    %get3A_1 = arith.constant 0 : index
    %get3A_2 = vector.load %arg1[%get3A, %get3A_0, %get3A_1] : memref<1x1000x128xf32, #tpu.memory_space<vmem>>, vector<1x1000x128xf32>
    %get3A_3 = vector.shape_cast %get3A_2 : vector<1x1000x128xf32> to vector<1000x128xf32>
    %get3A_4 = arith.constant 0 : index
    %get3A_5 = arith.constant 0 : index
    %get3A_6 = vector.load %arg3[%get3A_4, %get3A_5] : memref<1000x1xf32, #tpu.memory_space<vmem>>, vector<1000x1xf32>
    %max3A = arith.constant 1.000000e+00 : f32
    %max3A_7 = vector.broadcast %max3A : f32 to vector<1000x1xf32>
    %max3A_8 = arith.maximumf %get3A_6, %max3A_7 : vector<1000x1xf32>
    %div3A = vector.broadcast %max3A_8 : vector<1000x1xf32> to vector<1000x128xf32>
    %div3A_9 = arith.divf %get3A_3, %div3A : vector<1000x128xf32>
    %get3A_10 = arith.constant 0 : index
    %get3A_11 = arith.constant 0 : index
    %get3A_12 = arith.constant 0 : index
    %get3A_13 = vector.load %arg2[%get3A_10, %get3A_11, %get3A_12] : memref<1x1000x128xf32, #tpu.memory_space<vmem>>, vector<1x1000x128xf32>
    %get3A_14 = vector.shape_cast %get3A_13 : vector<1x1000x128xf32> to vector<1000x128xf32>
    %get3A_15 = arith.constant 0 : index
    %get3A_16 = arith.constant 0 : index
    %get3A_17 = vector.load %arg4[%get3A_15, %get3A_16] : memref<1000x1xf32, #tpu.memory_space<vmem>>, vector<1000x1xf32>
    %max3A_18 = arith.constant 1.000000e+00 : f32
    %max3A_19 = vector.broadcast %max3A_18 : f32 to vector<1000x1xf32>
    %max3A_20 = arith.maximumf %get3A_17, %max3A_19 : vector<1000x1xf32>
    %div3A_21 = vector.broadcast %max3A_20 : vector<1000x1xf32> to vector<1000x128xf32>
    %div3A_22 = arith.divf %get3A_14, %div3A_21 : vector<1000x128xf32>
    %get3A_23 = arith.constant 0 : index
    %get3A_24 = arith.constant 0 : index
    %get3A_25 = vector.load %arg6[%get3A_23, %get3A_24] : memref<128x128xf32, #tpu.memory_space<vmem>>, vector<128x128xf32>
    %dot_general3A = arith.constant dense<0.000000e+00> : vector<1000x128xf32>
    %dot_general3A_26 = tpu.matmul %div3A_9, %get3A_25, %dot_general3A {dimension_numbers = #tpu.dot_dimension_numbers<[1], [1], [0], [0], [0, 0, 1, 0], [], []>, transpose_lhs_hint = false} : vector<1000x128xf32>, vector<128x128xf32>, vector<1000x128xf32> -> vector<1000x128xf32>
    %get3A_27 = arith.constant 0 : index
    %get3A_28 = arith.constant 0 : index
    %get3A_29 = vector.load %arg7[%get3A_27, %get3A_28] : memref<128x128xf32, #tpu.memory_space<vmem>>, vector<128x128xf32>
    %dot_general3A_30 = arith.constant dense<0.000000e+00> : vector<1000x128xf32>
    %dot_general3A_31 = tpu.matmul %div3A_22, %get3A_29, %dot_general3A_30 {dimension_numbers = #tpu.dot_dimension_numbers<[1], [1], [0], [0], [0, 0, 1, 0], [], []>, transpose_lhs_hint = false} : vector<1000x128xf32>, vector<128x128xf32>, vector<1000x128xf32> -> vector<1000x128xf32>
    %add3A = arith.addf %dot_general3A_26, %dot_general3A_31 : vector<1000x128xf32>
    %get3A_32 = arith.constant 0 : index
    %get3A_33 = arith.constant 0 : index
    %get3A_34 = vector.load %arg5[%get3A_32, %get3A_33] : memref<1000x128xf32, #tpu.memory_space<vmem>>, vector<1000x128xf32>
    %get3A_35 = arith.constant 0 : index
    %get3A_36 = arith.constant 0 : index
    %get3A_37 = vector.load %arg8[%get3A_35, %get3A_36] : memref<128x128xf32, #tpu.memory_space<vmem>>, vector<128x128xf32>
    %get3A_38 = arith.constant 0 : index
    %get3A_39 = arith.constant 0 : index
    %get3A_40 = vector.load %arg9[%get3A_38, %get3A_39] : memref<128x128xf32, #tpu.memory_space<vmem>>, vector<128x128xf32>
    %add3A_41 = arith.addf %get3A_37, %get3A_40 : vector<128x128xf32>
    %dot_general3A_42 = arith.constant dense<0.000000e+00> : vector<1000x128xf32>
    %dot_general3A_43 = tpu.matmul %get3A_34, %add3A_41, %dot_general3A_42 {dimension_numbers = #tpu.dot_dimension_numbers<[1], [1], [0], [0], [0, 0, 1, 0], [], []>, transpose_lhs_hint = false} : vector<1000x128xf32>, vector<128x128xf32>, vector<1000x128xf32> -> vector<1000x128xf32>
    %add3A_44 = arith.addf %add3A, %dot_general3A_43 : vector<1000x128xf32>
    %get3A_45 = arith.constant 0 : index
    %get3A_46 = arith.constant 0 : index
    %get3A_47 = vector.load %arg10[%get3A_45, %get3A_46] : memref<1x128xf32, #tpu.memory_space<vmem>>, vector<1x128xf32>
    %get3A_48 = arith.constant 0 : index
    %get3A_49 = arith.constant 0 : index
    %get3A_50 = vector.load %arg11[%get3A_48, %get3A_49] : memref<1x128xf32, #tpu.memory_space<vmem>>, vector<1x128xf32>
    %add3A_51 = arith.addf %get3A_47, %get3A_50 : vector<1x128xf32>
    %add3A_52 = vector.broadcast %add3A_51 : vector<1x128xf32> to vector<1000x128xf32>
    %add3A_53 = arith.addf %add3A_44, %add3A_52 : vector<1000x128xf32>
    %mul3A = arith.constant 5.000000e-01 : f32
    %mul3A_54 = vector.broadcast %mul3A : f32 to vector<1000x128xf32>
    %mul3A_55 = arith.mulf %mul3A_54, %add3A_53 : vector<1000x128xf32>
    %max3A_56 = arith.constant 0.000000e+00 : f32
    %max3A_57 = vector.broadcast %max3A_56 : f32 to vector<1000x128xf32>
    %max3A_58 = arith.maximumf %mul3A_55, %max3A_57 : vector<1000x128xf32>
    %swap3A = arith.constant 0 : index
    %swap3A_59 = arith.constant 0 : index
    %swap3A_60 = vector.load %arg12[%swap3A, %swap3A_59] : memref<1000x128xf32, #tpu.memory_space<vmem>>, vector<1000x128xf32>
    tpu.vector_store %arg12[%swap3A, %swap3A_59], %max3A_58 {strides = array<i32>} : memref<1000x128xf32, #tpu.memory_space<vmem>>, vector<1000x128xf32>,
    return
  }
  func.func @transform_0(%arg0: i32) -> (i32, i32, i32) {
    %c0_i32 = arith.constant 0 : i32
    %c0_i32_0 = arith.constant 0 : i32
    %c0_i32_1 = arith.constant 0 : i32
    return %c0_i32, %arg0, %c0_i32_0 : i32, i32, i32
  }
  func.func @transform_1(%arg0: i32) -> (i32, i32, i32) {
    %c1_i32 = arith.constant 1 : i32
    %c0_i32 = arith.constant 0 : i32
    %c0_i32_0 = arith.constant 0 : i32
    return %c1_i32, %arg0, %c0_i32 : i32, i32, i32
  }
  func.func @transform_2(%arg0: i32) -> (i32, i32) {
    %c0_i32 = arith.constant 0 : i32
    %c0_i32_0 = arith.constant 0 : i32
    return %arg0, %c0_i32 : i32, i32
  }
  func.func @transform_3(%arg0: i32) -> (i32, i32) {
    %c0_i32 = arith.constant 0 : i32
    %c0_i32_0 = arith.constant 0 : i32
    return %arg0, %c0_i32 : i32, i32
  }
  func.func @transform_4(%arg0: i32) -> (i32, i32) {
    %c0_i32 = arith.constant 0 : i32
    %c0_i32_0 = arith.constant 0 : i32
    return %arg0, %c0_i32 : i32, i32
  }
  func.func @transform_5(%arg0: i32) -> (i32, i32) {
    %c0_i32 = arith.constant 0 : i32
    %c0_i32_0 = arith.constant 0 : i32
    %c0_i32_1 = arith.constant 0 : i32
    return %c0_i32, %c0_i32_0 : i32, i32
  }
  func.func @transform_6(%arg0: i32) -> (i32, i32) {
    %c0_i32 = arith.constant 0 : i32
    %c0_i32_0 = arith.constant 0 : i32
    %c0_i32_1 = arith.constant 0 : i32
    return %c0_i32, %c0_i32_0 : i32, i32
  }
  func.func @transform_7(%arg0: i32) -> (i32, i32) {
    %c0_i32 = arith.constant 0 : i32
    %c0_i32_0 = arith.constant 0 : i32
    %c0_i32_1 = arith.constant 0 : i32
    return %c0_i32, %c0_i32_0 : i32, i32
  }
  func.func @transform_8(%arg0: i32) -> (i32, i32) {
    %c0_i32 = arith.constant 0 : i32
    %c0_i32_0 = arith.constant 0 : i32
    %c0_i32_1 = arith.constant 0 : i32
    return %c0_i32, %c0_i32_0 : i32, i32
  }
  func.func @transform_9(%arg0: i32) -> (i32, i32) {
    %c0_i32 = arith.constant 0 : i32
    %c0_i32_0 = arith.constant 0 : i32
    %c0_i32_1 = arith.constant 0 : i32
    return %c0_i32, %c0_i32_0 : i32, i32
  }
  func.func @transform_10(%arg0: i32) -> (i32, i32) {
    %c0_i32 = arith.constant 0 : i32
    %c0_i32_0 = arith.constant 0 : i32
    %c0_i32_1 = arith.constant 0 : i32
    return %c0_i32, %c0_i32_0 : i32, i32
  }
  func.func @transform_11(%arg0: i32) -> (i32, i32) {
    %c0_i32 = arith.constant 0 : i32
    %c0_i32_0 = arith.constant 0 : i32
    return %arg0, %c0_i32 : i32, i32
  }
}

</mosaic_0001>

<sc_bundles>
// kernel: kernel.5.cloned.1.call-start
scs
__scs_entry_jumppad:
0x0: {  	(pc) =	sbr.rel $0x88, $3  }
0x1: {  	(tag) =	ssettag $0x0;
	lr =	simm.s32 $0x1  }
0x2: {  	[smem:$0x3F98] =	sst lr;
	_ =	strace $0xD0000000  }
0x3: {  	_ = 	snop  }
0x4: {  	_ = 	snop  }
0x5: {  	_ = 	snop  }
0x6: {  	_ = 	snop  }
0x7: {  	_ = 	snop  }
__scs_overlays_trampoline_lowered:
0x8: {  	[smem:$0x3FA7] =	sst s0  }
0x9: {  	[smem:$0x3FA8] =	sst s1  }
0xa: {  	[smem:$0x3FA9] =	sst s2  }
0xb: {  	[smem:$0x3FAA] =	sst s3  }
0xc: {  	[smem:$0x3FAB] =	sst s4  }
0xd: {  	[smem:$0x3FAC] =	sst s5  }
0xe: {  	[smem:$0x3FAD] =	sst s6  }
0xf: {  	[smem:$0x3FAE] =	sst s7  }
0x10: {  	[smem:$0x3FAF] =	sst s8  }
0x11: {  	[smem:$0x3FB0] =	sst s9;
	s0 =	simm.s32 @!p0 $0x0  }
0x12: {  	s1 =	sld [smem:$0x3F96];
	s0 =	simm.s32 @p0 $0x1  }
0x13: {  	[smem:$0x3FB1] =	sst s0;
	s0 =	simm.s32 @!p1 $0x0  }
0x14: {  	s2 =	sld [smem:$0x3F95];
	s0 =	simm.s32 @p1 $0x1  }
0x15: {  	[smem:$0x3FB2] =	sst s0;
	s0 =	simm.s32 @!p2 $0x0  }
0x16: {  	s3 =	sld [smem:$0x3FDB];
	s0 =	simm.s32 @p2 $0x1  }
0x17: {  	s4 =	simm.s32 $0x1BF5;
	[smem:$0x3FB4] =	sst s0  }
0x18: {  	s0 =	sld [smem:$0x3F97];
	_ =	swait.ge [sflag:s4], $0x0  }
0x19: {  	s7 =	sld [smem:$0x3F98]  }
0x1a: {  	s8 =	sadd.s32 $0xFFFFE003, lr  }
0x1b: {  	s9 =	sadd.s32 $0xFFFFFEF7, lr;
	s5 =	simm.s32 $0xFFFFFFFF;
	p2 =	slt.u32 s8, $0xFFFFF086  }
0x1c: {  	p1 =	slt.u32 s9, $0xF7A;
	s5 =	simm.s32 @!p2 $0x0  }
0x1d: {  	s5 =	simm.s32 @p1 $0x1;
	p0 =	seq.s32 s7, s2  }
0x1e: {  	s7 =	smul.u32 @!p0 $0xF7A, s2;
	p2 =	seq.s32 @!p0 s5, $0x0  }
0x1f: {  	s9 =	smul.u32 $0xF7A, s1;
	s8 =	simm.s32 @!p0 $0x1BF5;
	p2 =	por !p2, p0  }
0x20: {  	[sflag:s8] =	ssyncset.s32 @!p0 $0xFFFFF086;
	s6 =	sadd.s32 @!p0 s3, s7;
	s7 =	simm.s32 @!p0 $0x108  }
0x21: {  	s3 =	sadd.s32 s3, s9;
	s6 =	sadd.s32 @!p0 $0x88, s6;
	s7 =	simm.s32 @p2 $0x1082  }
0x22: {  	[simem:s7], [sflag:s8] =	dma.local @!p0 [hbm:s6], $0xF7A  }
0x23: {  	s9 =	sor.u32 $0xD0000000, s2;
	s6 =	simm.s32 $0x108;
	_ =	swait.ge @!p0 [sflag:s8], $0x0  }
0x24: {  	s3 =	sadd.s32 $0x88, s3;
	s6 =	simm.s32 @!p1 $0x1082;
	[sflag:s4] =	ssyncset.s32 $0xFFFFF086  }
0x25: {  	[simem:s6], [sflag:s4] =	dma.local [hbm:s3], $0xF7A  }
0x26: {  	[smem:$0x3F98] =	sst s1;
	(tag) =	ssettag s2;
	_ =	strace s9  }
0x27: {  	s1 =	sld [smem:$0x3FA8]  }
0x28: {  	s2 =	sld [smem:$0x3FA9]  }
0x29: {  	s4 =	sld [smem:$0x3FAB]  }
0x2a: {  	p0 =	seq.s32 s5, $0x0;
	s5 =	sld [smem:$0x3FAC]  }
0x2b: {  	s6 =	sld [smem:$0x3FAD]  }
0x2c: {  	s7 =	sld [smem:$0x3FAE]  }
0x2d: {  	s3 =	simm.s32 $0x108;
	s8 =	sld [smem:$0x3FAF]  }
0x2e: {  	s3 =	simm.s32 @!p0 $0x1082;
	s9 =	sld [smem:$0x3FB0]  }
0x2f: {  	lr =	sadd.s32 s0, s3;
	s0 =	sld [smem:$0x3FA7]  }
0x30: {  	s3 =	sld [smem:$0x3FAA]  }
0x31: {  	[smem:$0x3FB3] =	sst s10  }
0x32: {  	s10 =	sld [smem:$0x3FB1];
	_ =	sdelay $0x3  }
0x33: {  	p0 =	seq.s32 s10, $0x1;
	s10 =	sld [smem:$0x3FB3];
	_ =	sdelay $0x3  }
0x34: {  	[smem:$0x3FB3] =	sst s10  }
0x35: {  	s10 =	sld [smem:$0x3FB2];
	_ =	sdelay $0x3  }
0x36: {  	p1 =	seq.s32 s10, $0x1;
	s10 =	sld [smem:$0x3FB3];
	_ =	sdelay $0x3  }
0x37: {  	[smem:$0x3FB3] =	sst s10  }
0x38: {  	s10 =	sld [smem:$0x3FB4]  }
0x39: {  	_ = 	snop;
	(pc) =	sbr.ind lr, $3  }
0x3a: {  	_ = 	snop  }
0x3b: {  	_ = 	snop  }
0x3c: {  	p2 =	seq.s32 s10, $0x1;
	s10 =	sld [smem:$0x3FB3]  }
0x3d: {  	_ =	shalt  }
0x3e: {  	_ =	shalt  }
0x3f: {  	_ =	shalt  }
0x40: {  	_ =	shalt  }
0x41: {  	_ =	shalt  }
0x42: {  	_ =	shalt  }
0x43: {  	_ =	shalt  }
0x44: {  	_ =	shalt  }
0x45: {  	_ =	shalt  }
0x46: {  	_ =	shalt  }
0x47: {  	_ =	shalt  }
0x48: {  	_ =	shalt  }
0x49: {  	_ =	shalt  }
0x4a: {  	_ =	shalt  }
0x4b: {  	_ =	shalt  }
0x4c: {  	_ =	shalt  }
0x4d: {  	_ =	shalt  }
0x4e: {  	_ =	shalt  }
0x4f: {  	_ =	shalt  }
0x50: {  	_ =	shalt  }
0x51: {  	_ =	shalt  }
0x52: {  	_ =	shalt  }
0x53: {  	_ =	shalt  }
0x54: {  	_ =	shalt  }
0x55: {  	_ =	shalt  }
0x56: {  	_ =	shalt  }
0x57: {  	_ =	shalt  }
0x58: {  	_ =	shalt  }
0x59: {  	_ =	shalt  }
0x5a: {  	_ =	shalt  }
0x5b: {  	_ =	shalt  }
0x5c: {  	_ =	shalt  }
0x5d: {  	_ =	shalt  }
0x5e: {  	_ =	shalt  }
0x5f: {  	_ =	shalt  }
0x60: {  	_ =	shalt  }
0x61: {  	_ =	shalt  }
0x62: {  	_ =	shalt  }
0x63: {  	_ =	shalt  }
0x64: {  	_ =	shalt  }
0x65: {  	_ =	shalt  }
0x66: {  	_ =	shalt  }
0x67: {  	_ =	shalt  }
0x68: {  	_ =	shalt  }
0x69: {  	_ =	shalt  }
0x6a: {  	_ =	shalt  }
0x6b: {  	_ =	shalt  }
0x6c: {  	_ =	shalt  }
0x6d: {  	_ =	shalt  }
0x6e: {  	_ =	shalt  }
0x6f: {  	_ =	shalt  }
0x70: {  	_ =	shalt  }
0x71: {  	_ =	shalt  }
0x72: {  	_ =	shalt  }
0x73: {  	_ =	shalt  }
0x74: {  	_ =	shalt  }
0x75: {  	_ =	shalt  }
0x76: {  	_ =	shalt  }
0x77: {  	_ =	shalt  }
0x78: {  	_ =	shalt  }
0x79: {  	_ =	shalt  }
0x7a: {  	_ =	shalt  }
0x7b: {  	_ =	shalt  }
0x7c: {  	_ =	shalt  }
0x7d: {  	_ =	shalt  }
0x7e: {  	_ =	shalt  }
0x7f: {  	_ =	shalt  }
0x80: {  	_ =	shalt  }
0x81: {  	_ =	shalt  }
0x82: {  	_ =	shalt  }
0x83: {  	_ =	shalt  }
0x84: {  	_ =	shalt  }
0x85: {  	_ =	shalt  }
0x86: {  	_ =	shalt  }
0x87: {  	_ =	shalt  }
.Lfunc_end0:
.L_simem_size_0:
called_computation_lowered:
.L_overlay_start_0:
0x88: {  	s2 =	sld [smem:$0x3FD9]  }
0x89: {  	s3 =	sld [smem:$0x3FFE];
	_ =	sdelay $0x1  }
0x8a: {  	s1 =	srdreg.scid  }
0x8b: {  	s0 =	sand.u32 $0x1, s1  }
0x8c: {  	s17 =	sshll.u32 s0, $0xA;
	s2 =	sadd.s32 s3, s2  }
0x8d: {  	s2 =	sadd.s32 s2, s17  }
0x8e: {  	[smem:$0x3FBF] =	sst s2  }
0x8f: {  	_ = 	snop  }
0x90: {  	s2 =	sld [smem:$0x3FC9]  }
0x91: {  	s18 =	sld [smem:$0x3FD0];
	(tm) =	ssettm $0x1  }
0x92: {  	s4 =	sld [smem:$0x3FFB];
	_ =	sdelay $0x3  }
0x93: {  	_ =	strace s4  }
0x94: {  	s4 =	sld [smem:$0x3FFC];
	_ =	sdelay $0x3  }
0x95: {  	_ =	strace s4  }
0x96: {  	s4 =	sld [smem:$0x3FFD];
	_ =	sdelay $0x3  }
0x97: {  	_ =	strace s4  }
0x98: {  	_ =	strace $0x8FFFFFFF  }
0x99: {  	s19 =	sld [smem:$0x3FDB];
	_ =	sdelay $0x1  }
0x9a: {  	s5 =	simm.s32 $_scs_section_size  }
0x9b: {  	s6 =	simm.s32 $_size__tile_overlayer_lowered;
	s7 =	simm.s32 $_tile_overlayer_lowered  }
0x9c: {  	s22 =	simm.s32 $0x1BFF;
	s21 =	sshll.u32 s7, $0x1;
	s4 =	sadd.s32 s5, s19  }
0x9d: {  	s8 =	simm.s32 $0x0;
	s20 =	sshll.u32 s6, $0x1;
	s6 =	sadd.s32 s21, s4  }
0x9e: {  	[timem:s8], [sflag:s22] =	dma.local [hbm:s6], s20  }
0x9f: {  	_ =	swait.ge [sflag:s22], s20  }
0xa0: {  	s5 =	ssub.s32 $0x0, s20;
	[sflag:s22] =	ssyncset.done $0x0  }
0xa1: {  	[sflag:s22] =	ssyncadd.s32 s5;
	_ =	sdelay $0x1  }
0xa2: {  	s23 =	simm.s32 $0x1B8B  }
0xa3: {  	_ =	swait.ge [sflag:s23], $0x1  }
0xa4: {  	[sflag:s23] =	ssyncset.done $0x0  }
0xa5: {  	s25 =	simm.s32 $0x1B8E;
	s24 =	sld [smem:$0x3FFE];
	[sflag:s23] =	ssyncadd.s32 $0xFFFFFFFF  }
0xa6: {  	s26 =	simm.s32 $execute0_lowered;
	[smem:$0x3FD2] =	sst s25  }
0xa7: {  	s6 =	sshll.u32 s26, $0x1;
	_ =	strace $0x80000046;
	[dreg:$0x1] =	wrdreg $0xFFFFFFFF  }
0xa8: {  	s28 =	simm.s32 $_size_execute0_lowered;
	s4 =	sadd.s32 s4, s6;
	[dreg:$0x0] =	wrdreg $0x0  }
0xa9: {  	s6 =	sshll.u32 s28, $0x1;
	[dreg:$0x2] =	wrdreg s4  }
0xaa: {  	[dreg:$0x3] =	wrdreg s6  }
0xab: {  	[dreg:$0x4] =	wrdreg $0xC0  }
0xac: {  	_ =	task [dreg:s8], $0x5FFFF  }
0xad: {  	[dreg:$0x1] =	wrdreg $0xFFFFFFFF  }
0xae: {  	[dreg:$0x0] =	wrdreg $0x60  }
0xaf: {  	[dreg:$0x2] =	wrdreg s18  }
0xb0: {  	[dreg:$0x3] =	wrdreg s24  }
0xb1: {  	[dreg:$0x4] =	wrdreg s2  }
0xb2: {  	[dreg:$0x5] =	wrdreg $0x0  }
0xb3: {  	[dreg:$0x6] =	wrdreg $0x9  }
0xb4: {  	_ =	task.clear_ibuf [dreg:s8], $0x7FFFF;
	_ =	strace $0x90000046  }
0xb5: {  	s29 =	simm.s32 $0x9;
	_ =	strace $0x80000048  }
0xb6: {  	_ =	swait.ge [sflag:s29], $0x1  }
0xb7: {  	[sflag:s29] =	ssyncadd.s32 $0xFFFFFFFF  }
0xb8: {  	_ =	strace $0x90000048  }
0xb9: {  	_ =	sfence  }
0xba: {  	s30 =	sld [smem:$0x0];
	_ =	sdelay $0x2  }
0xbb: {  	s31 =	sshll.u32 s1, $0xD;
	s1 =	sshrl.u32 s1, $0x2  }
0xbc: {  	s3 =	sand.u32 $0x4000, s31;
	s1 =	sadd.s32 s1, s30  }
0xbd: {  	s0 =	sor.u32 s3, s0;
	s1 =	sshll.u32 s1, $0x11  }
0xbe: {  	s0 =	sor.u32 s1, s0  }
0xbf: {  	s0 =	sadd.s32 $0x8F2B, s0  }
0xc0: {  	[sflag:s0] =	ssyncadd.remote.s32 $0x1  }
0xc1: {  	_ =	sfence.sel $0xFFFF  }
0xc2: {  	[dreg:$0x0] =	wrdreg $0xFFFFFFFF;
	(pc) =	sbr.abs _section_cstart, $3  }
0xc3: {  	[dreg:$0x1] =	wrdreg $0xFFFFFFFF  }
0xc4: {  	_ =	task.clear_ibuf [dreg:s8], $0x2FFFF;
	_ =	strace $0x9FFFFFFF  }
0xc5: {  	(tm) =	ssettm $0x7FFFFFFF  }
tec
execute0_lowered:
.L_overlay_start_1:
0x0: {  	(tag) =	ssettag $0x1  }
0x1: {  	s1 =	rddreg [dreg:$0x0]  }
0x2: {  	s0 =	rddreg [dreg:$0x1]  }
0x3: {  	s2 =	rddreg [dreg:$0x2]  }
0x4: {  	s3 =	rddreg [dreg:$0x3];
	s4 =	simm.s32 $0x0;
	s5 =	srdreg.scid  }
0x5: {  	s12 =	stileid.u32;
	s28 =	simm.s32 $0x7;
	s29 =	simm.s32 $0x14000  }
0x6: {  	s30 =	simm.s32 $0x14180;
	s31 =	simm.s32 $0x14080;
	s8 =	smul.u32 $0x50000, s12  }
0x7: {  	[smem:$0x7FF] =	sst s4;
	s5 =	sand.u32 $0x1, s5;
	s14 =	smul.u32 $0xD1, s12  }
0x8: {  	s6 =	sadd.s32 $0xE00, s0;
	s26 =	sshll.u32 s12, $0x7;
	s7 =	smul.u32 $0x28000, s5  }
0x9: {  	_ =	strace $0x80000047;
	s18 =	ssub.s32 $0x2, s5;
	s10 =	sshll.u32 s5, $0x4  }
0xa: {  	s5 =	smul.u32 $0xD10, s5;
	s9 =	sshrl.u32 s18, $0x1;
	s19 =	sor.u32 s12, s10  }
0xb: {  	s8 =	sshrl.u32 s8, $0x2;
	s10 =	sand.u32 $0x380, s26;
	s23 =	smul.u32 $0x6880, s19  }
0xc: {  	s0 =	sadd.s32 s7, s0;
	s20 =	sadd.s32 s8, s3;
	s11 =	smul.u32 $0xD1, s19  }
0xd: {  	s7 =	ssub.s32 s18, s9;
	s8 =	smul.u32 $0xD10, s19;
	s21 =	sadd.s32 $0x3000, s20  }
0xe: {  	s5 =	sadd.s32 s14, s5;
	s22 =	sadd.s32 $0x6000, s20;
	[dreg:$0x6] =	wrdreg s21  }
0xf: {  	s14 =	simm.s32 $0x1A300;
	s24 =	sadd.s32 $0x9000, s20;
	[dreg:$0x7] =	wrdreg s22  }
0x10: {  	s25 =	sadd.s32 $0xC000, s20;
	s13 =	sadd.s32 $0xF000, s20;
	[dreg:$0x8] =	wrdreg s24  }
0x11: {  	s5 =	sshll.u32 s5, $0x4;
	s0 =	sadd.s32 $0x1B000, s0;
	[dreg:$0x9] =	wrdreg s25  }
0x12: {  	s7 =	smax.u32 s7, $0x1;
	s9 =	sand.u32 $0xFFC00, s23;
	[dreg:$0xa] =	wrdreg s13  }
0x13: {  	s13 =	sadd.s32 $0x12000, s20;
	s15 =	sadd.s32 $0x10, s8;
	s16 =	sadd.s32 s6, s8  }
0x14: {  	s8 =	sadd.s32 $0x20, s8;
	s19 =	sadd.s32 $0x5, s11;
	s21 =	smul.u32 $0x2800, s12  }
0x15: {  	s22 =	sadd.s32 $0x40, s5;
	[dreg:$0x12] =	wrdreg s7;
	s24 =	sadd.s32 s5, s1  }
0x16: {  	s5 =	sadd.s32 s5, s6;
	s11 =	simm.s32 $0x17300;
	[dreg:$0xb] =	wrdreg s13  }
0x17: {  	s12 =	simm.s32 $0x4;
	s9 =	sor.u32 s10, s9;
	[dreg:$0xd] =	wrdreg s16  }
0x18: {  	s17 =	sadd.s32 s1, s15;
	s18 =	sadd.s32 s1, s8;
	[dreg:$0x5] =	wrdreg s19  }
0x19: {  	s8 =	sadd.s32 s6, s8;
	s23 =	sadd.s32 s22, s1;
	[dreg:$0xe] =	wrdreg s17  }
0x1a: {  	s25 =	sadd.s32 s22, s6;
	s26 =	sadd.s32 $0x30, s5;
	[dreg:$0x10] =	wrdreg s18  }
0x1b: {  	s5 =	simm.s32 $0x14100;
	s10 =	simm.s32 $0x2;
	[dreg:$0x11] =	wrdreg s8  }
0x1c: {  	s13 =	simm.s32 $0x3;
	s16 =	simm.s32 $0x1;
	[dreg:$0x13] =	wrdreg s23  }
0x1d: {  	s9 =	sshrl.u32 s9, $0x3;
	s0 =	sadd.s32 s21, s0;
	[dreg:$0x15] =	wrdreg s25  }
0x1e: {  	[dreg:$0x17] =	wrdreg s26;
	s26 =	simm.s32 $0x14300;
	s8 =	simm.s32 $0x14280  }
0x1f: {  	s17 =	simm.s32 $0x6;
	s9 =	sadd.s32 s1, s9;
	[dreg:$0x14] =	wrdreg s0  }
0x20: {  	s18 =	simm.s32 $0x0;
	s0 =	sadd.s32 $0x30, s24;
	[dreg:$0xc] =	wrdreg s9  }
0x21: {  	s9 =	sadd.s32 s6, s15;
	[dreg:$0x16] =	wrdreg s0;
	s0 =	simm.s32 $0x14200  }
0x22: {  	v0 =	vimm.f32 $0.0e+00;
	s15 =	simm.s32 $0x5;
	[dreg:$0xf] =	wrdreg s9;
	s9 =	simm.s32 $0x60  }
.LBB2_1:
0x23: {  	s7 =	simm.s32 $0x0;
	s19 =	simm.s32 $0x200  }
.LBB2_2:
0x24: {  	p0 =	sne.s32 s19, $0xBE00;
	[tilespmem:s7+$0x14370] =	vst v0  }
0x25: {  	[tilespmem:s7+$0x14300] =	vst v0  }
0x26: {  	[tilespmem:s7+$0x14310] =	vst v0  }
.Ltmp0:
0x27: {  	[tilespmem:s7+$0x14320] =	vst v0;
	(pc) =	sbr.rel @p0 .LBB2_2-.Ltmp0, $4  }
0x28: {  	[tilespmem:s7+$0x14330] =	vst v0  }
0x29: {  	[tilespmem:s7+$0x14340] =	vst v0  }
0x2a: {  	[tilespmem:s7+$0x14350] =	vst v0  }
0x2b: {  	[tilespmem:s7+$0x14360] =	vst v0;
	s7 =	sshra.s32 s19, $0x2;
	s19 =	sadd.s32 $0x200, s19  }
0x2c: {  	[tilespmem:s7+$0x14370] =	vst v0  }
0x2d: {  	[tilespmem:s7+$0x14300] =	vst v0  }
0x2e: {  	[tilespmem:s7+$0x14310] =	vst v0  }
0x2f: {  	[tilespmem:s7+$0x14320] =	vst v0  }
0x30: {  	[tilespmem:s7+$0x14330] =	vst v0  }
0x31: {  	[tilespmem:s7+$0x14340] =	vst v0  }
0x32: {  	[tilespmem:s7+$0x14350] =	vst v0  }
0x33: {  	[tilespmem:s7+$0x14360] =	vst v0  }
0x34: {  	[spmem:s20] =	stream.linear.scatter [tilespmem:s26], [sflag:$0x7], $0x3000, $0x38;
	[tilespmem:$0x1D300] =	vst v63  }
0x35: {  	_ =	swait.ge [sflag:s28], $0x3000  }
0x36: {  	[sflag:s28] =	ssyncset.done $0x0  }
0x37: {  	s24 =	rddreg [dreg:$0x6];
	[sflag:s28] =	ssyncadd.s32 $0xFFFFD000  }
0x38: {  	[spmem:s24] =	stream.linear.scatter [tilespmem:s26], [sflag:$0x7], $0x3000, $0x38;
	[tilespmem:$0x1D300] =	vst v63  }
0x39: {  	_ =	swait.ge [sflag:s28], $0x3000  }
0x3a: {  	[sflag:s28] =	ssyncset.done $0x0  }
0x3b: {  	s19 =	rddreg [dreg:$0x7];
	[sflag:s28] =	ssyncadd.s32 $0xFFFFD000  }
0x3c: {  	[spmem:s19] =	stream.linear.scatter [tilespmem:s26], [sflag:$0x7], $0x3000, $0x38;
	[tilespmem:$0x1D300] =	vst v63  }
0x3d: {  	_ =	swait.ge [sflag:s28], $0x3000  }
0x3e: {  	[sflag:s28] =	ssyncset.done $0x0  }
0x3f: {  	s25 =	smov.u32 s20;
	s20 =	rddreg [dreg:$0x8];
	[sflag:s28] =	ssyncadd.s32 $0xFFFFD000  }
0x40: {  	[spmem:s20] =	stream.linear.scatter [tilespmem:s26], [sflag:$0x7], $0x3000, $0x38;
	[tilespmem:$0x1D300] =	vst v63  }
0x41: {  	_ =	swait.ge [sflag:s28], $0x3000  }
0x42: {  	[sflag:s28] =	ssyncset.done $0x0  }
0x43: {  	s21 =	rddreg [dreg:$0x9];
	[sflag:s28] =	ssyncadd.s32 $0xFFFFD000  }
0x44: {  	[spmem:s21] =	stream.linear.scatter [tilespmem:s26], [sflag:$0x7], $0x3000, $0x38;
	[tilespmem:$0x1D300] =	vst v63  }
0x45: {  	_ =	swait.ge [sflag:s28], $0x3000  }
0x46: {  	[sflag:s28] =	ssyncset.done $0x0  }
0x47: {  	s22 =	rddreg [dreg:$0xa];
	[sflag:s28] =	ssyncadd.s32 $0xFFFFD000  }
0x48: {  	[spmem:s22] =	stream.linear.scatter [tilespmem:s26], [sflag:$0x7], $0x3000, $0x38;
	[tilespmem:$0x1D300] =	vst v63  }
0x49: {  	_ =	swait.ge [sflag:s28], $0x3000  }
0x4a: {  	[sflag:s28] =	ssyncset.done $0x0  }
0x4b: {  	s23 =	rddreg [dreg:$0xb];
	[sflag:s28] =	ssyncadd.s32 $0xFFFFD000  }
0x4c: {  	[spmem:s23] =	stream.linear.scatter [tilespmem:s26], [sflag:$0x7], $0x2000, $0x38;
	[tilespmem:$0x1D300] =	vst v63  }
0x4d: {  	_ =	swait.ge [sflag:s28], $0x2000  }
0x4e: {  	[sflag:s28] =	ssyncset.done $0x0  }
0x4f: {  	[sflag:s28] =	ssyncadd.s32 $0xFFFFE000  }
0x50: {  	[bflag:$0x0] =	sbarrier.arrive $0xFFFF  }
0x51: {  	s7 =	simm.s32 $0x0;
	s19 =	rddreg [dreg:$0xc]  }
0x52: {  	[tilespmem:s29], [sflag:$0x7] =	stream.linear.gather [hbm4b:s19+s7], $0x80, $0x38;
	[tilespmem:$0x1D300] =	vst v63  }
0x53: {  	_ =	swait.ge [sflag:s28], $0x80  }
0x54: {  	[sflag:s28] =	ssyncset.done $0x0  }
0x55: {  	s24 =	rddreg [dreg:$0xd];
	[sflag:s28] =	ssyncadd.s32 $0xFFFFFF80  }
0x56: {  	[tilespmem:s30], [sflag:$0x7] =	stream.linear.gather [hbm4b:s24+s7], $0x80, $0x38;
	[tilespmem:$0x1D300] =	vst v63  }
0x57: {  	_ =	swait.ge [sflag:s28], $0x80  }
0x58: {  	[sflag:s28] =	ssyncset.done $0x0  }
0x59: {  	s20 =	rddreg [dreg:$0xe];
	[sflag:s28] =	ssyncadd.s32 $0xFFFFFF80  }
0x5a: {  	[tilespmem:s31], [sflag:$0x2] =	stream.linear.gather [hbm4b:s20+s7], $0x80, $0x38;
	[tilespmem:$0x1D300] =	vst v63  }
0x5b: {  	s21 =	rddreg [dreg:$0xf]  }
0x5c: {  	[tilespmem:s0], [sflag:$0x2] =	stream.linear.gather [hbm4b:s21+s7], $0x80, $0x38;
	[tilespmem:$0x1D300] =	vst v63  }
0x5d: {  	s22 =	rddreg [dreg:$0x10]  }
0x5e: {  	[tilespmem:s5], [sflag:$0x3] =	stream.linear.gather [hbm4b:s22+s7], $0x80, $0x38;
	[tilespmem:$0x1D300] =	vst v63  }
0x5f: {  	s23 =	rddreg [dreg:$0x11]  }
0x60: {  	[tilespmem:s8], [sflag:$0x3] =	stream.linear.gather [hbm4b:s23+s7], $0x80, $0x38;
	[tilespmem:$0x1D300] =	vst v63  }
0x61: {  	_ = 	snop  }
0x62: {  	[tilespmem:s26], [sflag:$0x4] =	stream.indirect.gather [hbm4b:s2+s9], $0x80, s29, s9, $0xb8;
	[tilespmem:$0x1D300] =	vst v63  }
0x63: {  	_ =	swait.ge [sflag:s10], $0x80  }
0x64: {  	[sflag:s10] =	ssyncset.done $0x0  }
0x65: {  	[sflag:s10] =	ssyncadd.s32 $0xFFFFFF80  }
0x66: {  	_ =	swait.ge [sflag:s10], $0x80  }
0x67: {  	[sflag:s10] =	ssyncset.done $0x0  }
0x68: {  	[sflag:s10] =	ssyncadd.s32 $0xFFFFFF80  }
0x69: {  	[tilespmem:s11], [sflag:$0x5] =	stream.indirect.gather [hbm4b:s2+s9], $0x80, s31, s9, $0xb8;
	[tilespmem:$0x1D300] =	vst v63  }
0x6a: {  	_ =	swait.ge [sflag:s12], $0x3000  }
0x6b: {  	[sflag:s12] =	ssyncset.done $0x0  }
0x6c: {  	[sflag:s12] =	ssyncadd.s32 $0xFFFFD000  }
0x6d: {  	[spmem:s3] =	stream.indirect.scatter.add.f32 [tilespmem:s26], [sflag:$0x7], $0x80, s30, s9, $0xb8;
	[tilespmem:$0x1D300] =	vst v63  }
0x6e: {  	_ =	swait.ge [sflag:s28], $0x3000  }
0x6f: {  	[sflag:s28] =	ssyncset.done $0x0  }
0x70: {  	s20 =	rddreg [dreg:$0x16];
	[sflag:s28] =	ssyncadd.s32 $0xFFFFD000  }
0x71: {  	[tilespmem:s29], [sflag:$0x1] =	stream.linear.gather [hbm4b:s20+s4], $0x80, $0x38;
	[tilespmem:$0x1D300] =	vst v63  }
0x72: {  	s22 =	rddreg [dreg:$0x17]  }
0x73: {  	[tilespmem:s30], [sflag:$0x1] =	stream.linear.gather [hbm4b:s22+s4], $0x80, $0x38;
	[tilespmem:$0x1D300] =	vst v63  }
0x74: {  	_ =	swait.ge [sflag:s13], $0x80  }
0x75: {  	[sflag:s13] =	ssyncset.done $0x0  }
0x76: {  	[sflag:s13] =	ssyncadd.s32 $0xFFFFFF80  }
0x77: {  	_ =	swait.ge [sflag:s13], $0x80  }
0x78: {  	[sflag:s13] =	ssyncset.done $0x0  }
0x79: {  	[sflag:s13] =	ssyncadd.s32 $0xFFFFFF80  }
0x7a: {  	[tilespmem:s14], [sflag:$0x6] =	stream.indirect.gather [hbm4b:s2+s9], $0x80, s5, s9, $0xb8;
	[tilespmem:$0x1D300] =	vst v63  }
0x7b: {  	_ =	swait.ge [sflag:s15], $0x3000  }
0x7c: {  	[sflag:s15] =	ssyncset.done $0x0  }
0x7d: {  	[sflag:s15] =	ssyncadd.s32 $0xFFFFD000  }
0x7e: {  	[spmem:s3] =	stream.indirect.scatter.add.f32 [tilespmem:s11], [sflag:$0x7], $0x80, s0, s9, $0xb8;
	[tilespmem:$0x1D300] =	vst v63  }
0x7f: {  	_ =	swait.ge [sflag:s28], $0x3000  }
0x80: {  	[sflag:s28] =	ssyncset.done $0x0  }
0x81: {  	s21 =	rddreg [dreg:$0x13];
	[sflag:s28] =	ssyncadd.s32 $0xFFFFD000  }
0x82: {  	[tilespmem:s31], [sflag:$0x2] =	stream.linear.gather [hbm4b:s21+s4], $0x80, $0x38;
	[tilespmem:$0x1D300] =	vst v63  }
0x83: {  	s23 =	rddreg [dreg:$0x15]  }
0x84: {  	[tilespmem:s0], [sflag:$0x2] =	stream.linear.gather [hbm4b:s23+s4], $0x80, $0x38;
	[tilespmem:$0x1D300] =	vst v63  }
0x85: {  	_ =	swait.ge [sflag:s16], $0x80  }
0x86: {  	[sflag:s16] =	ssyncset.done $0x0  }
0x87: {  	[sflag:s16] =	ssyncadd.s32 $0xFFFFFF80  }
0x88: {  	_ =	swait.ge [sflag:s16], $0x80  }
0x89: {  	[sflag:s16] =	ssyncset.done $0x0  }
0x8a: {  	[sflag:s16] =	ssyncadd.s32 $0xFFFFFF80  }
0x8b: {  	[tilespmem:s26], [sflag:$0x4] =	stream.indirect.gather [hbm4b:s2+s9], $0x80, s29, s9, $0xb8;
	[tilespmem:$0x1D300] =	vst v63  }
0x8c: {  	_ =	swait.ge [sflag:s17], $0x3000  }
0x8d: {  	[sflag:s17] =	ssyncset.done $0x0  }
0x8e: {  	[sflag:s17] =	ssyncadd.s32 $0xFFFFD000  }
0x8f: {  	[spmem:s3] =	stream.indirect.scatter.add.f32 [tilespmem:s14], [sflag:$0x7], $0x80, s8, s9, $0xb8;
	[tilespmem:$0x1D300] =	vst v63  }
0x90: {  	_ =	swait.ge [sflag:s28], $0x3000  }
0x91: {  	s7 =	smin.u32 s7, $0xCB;
	s24 =	rddreg [dreg:$0x5]  }
0x92: {  	s7 =	sadd.s32 s7, s24  }
0x93: {  	[sflag:s28] =	ssyncset.done $0x0;
	s7 =	sshll.u32 s7, $0x4  }
0x94: {  	[sflag:s28] =	ssyncadd.s32 $0xFFFFD000;
	s24 =	sadd.s32 s1, s7  }
0x95: {  	[tilespmem:s5], [sflag:$0x3] =	stream.linear.gather [hbm4b:s24+s4], $0x80, $0x38;
	[tilespmem:$0x1D300] =	vst v63  }
0x96: {  	s7 =	sadd.s32 s6, s7  }
0x97: {  	[tilespmem:s8], [sflag:$0x3] =	stream.linear.gather [hbm4b:s7+s4], $0x80, $0x38;
	[tilespmem:$0x1D300] =	vst v63  }
0x98: {  	_ =	swait.ge [sflag:s10], $0x80  }
0x99: {  	[sflag:s10] =	ssyncset.done $0x0  }
0x9a: {  	[sflag:s10] =	ssyncadd.s32 $0xFFFFFF80  }
0x9b: {  	s19 =	simm.s32 $0x3;
	_ =	swait.ge [sflag:s10], $0x80  }
0x9c: {  	s20 =	sadd.s32 $0x30, s20;
	s22 =	sadd.s32 $0x30, s22;
	[sflag:s10] =	ssyncset.done $0x0  }
0x9d: {  	s7 =	sadd.s32 $0x30, s21;
	s21 =	sadd.s32 $0x30, s23;
	[sflag:s10] =	ssyncadd.s32 $0xFFFFFF80  }
.LBB2_4:
0x9e: {  	[tilespmem:s11], [sflag:$0x5] =	stream.indirect.gather [hbm4b:s2+s9], $0x80, s31, s9, $0xb8;
	[tilespmem:$0x1D300] =	vst v63  }
0x9f: {  	_ =	swait.ge [sflag:s12], $0x3000  }
0xa0: {  	[sflag:s12] =	ssyncset.done $0x0  }
0xa1: {  	[sflag:s12] =	ssyncadd.s32 $0xFFFFD000  }
0xa2: {  	[spmem:s3] =	stream.indirect.scatter.add.f32 [tilespmem:s26], [sflag:$0x7], $0x80, s30, s9, $0xb8;
	[tilespmem:$0x1D300] =	vst v63  }
0xa3: {  	_ =	swait.ge [sflag:s28], $0x3000  }
0xa4: {  	[sflag:s28] =	ssyncset.done $0x0  }
0xa5: {  	[sflag:s28] =	ssyncadd.s32 $0xFFFFD000  }
0xa6: {  	[tilespmem:s29], [sflag:$0x1] =	stream.linear.gather [hbm4b:s20+s4], $0x80, $0x38;
	[tilespmem:$0x1D300] =	vst v63  }
0xa7: {  	_ = 	snop  }
0xa8: {  	[tilespmem:s30], [sflag:$0x1] =	stream.linear.gather [hbm4b:s22+s4], $0x80, $0x38;
	[tilespmem:$0x1D300] =	vst v63  }
0xa9: {  	_ =	swait.ge [sflag:s13], $0x80  }
0xaa: {  	[sflag:s13] =	ssyncset.done $0x0  }
0xab: {  	[sflag:s13] =	ssyncadd.s32 $0xFFFFFF80  }
0xac: {  	_ =	swait.ge [sflag:s13], $0x80  }
0xad: {  	[sflag:s13] =	ssyncset.done $0x0  }
0xae: {  	[sflag:s13] =	ssyncadd.s32 $0xFFFFFF80  }
0xaf: {  	[tilespmem:s14], [sflag:$0x6] =	stream.indirect.gather [hbm4b:s2+s9], $0x80, s5, s9, $0xb8;
	[tilespmem:$0x1D300] =	vst v63  }
0xb0: {  	_ =	swait.ge [sflag:s15], $0x3000  }
0xb1: {  	[sflag:s15] =	ssyncset.done $0x0  }
0xb2: {  	[sflag:s15] =	ssyncadd.s32 $0xFFFFD000  }
0xb3: {  	[spmem:s3] =	stream.indirect.scatter.add.f32 [tilespmem:s11], [sflag:$0x7], $0x80, s0, s9, $0xb8;
	[tilespmem:$0x1D300] =	vst v63  }
0xb4: {  	_ =	swait.ge [sflag:s28], $0x3000  }
0xb5: {  	[sflag:s28] =	ssyncset.done $0x0  }
0xb6: {  	[sflag:s28] =	ssyncadd.s32 $0xFFFFD000  }
0xb7: {  	[tilespmem:s31], [sflag:$0x2] =	stream.linear.gather [hbm4b:s7+s4], $0x80, $0x38;
	[tilespmem:$0x1D300] =	vst v63  }
0xb8: {  	_ = 	snop  }
0xb9: {  	[tilespmem:s0], [sflag:$0x2] =	stream.linear.gather [hbm4b:s21+s4], $0x80, $0x38;
	[tilespmem:$0x1D300] =	vst v63  }
0xba: {  	_ =	swait.ge [sflag:s16], $0x80  }
0xbb: {  	[sflag:s16] =	ssyncset.done $0x0  }
0xbc: {  	[sflag:s16] =	ssyncadd.s32 $0xFFFFFF80  }
0xbd: {  	_ =	swait.ge [sflag:s16], $0x80  }
0xbe: {  	[sflag:s16] =	ssyncset.done $0x0  }
0xbf: {  	[sflag:s16] =	ssyncadd.s32 $0xFFFFFF80  }
0xc0: {  	[tilespmem:s26], [sflag:$0x4] =	stream.indirect.gather [hbm4b:s2+s9], $0x80, s29, s9, $0xb8;
	[tilespmem:$0x1D300] =	vst v63  }
0xc1: {  	_ =	swait.ge [sflag:s17], $0x3000  }
0xc2: {  	[sflag:s17] =	ssyncset.done $0x0  }
0xc3: {  	[sflag:s17] =	ssyncadd.s32 $0xFFFFD000  }
0xc4: {  	[spmem:s3] =	stream.indirect.scatter.add.f32 [tilespmem:s14], [sflag:$0x7], $0x80, s8, s9, $0xb8;
	[tilespmem:$0x1D300] =	vst v63  }
0xc5: {  	s23 =	smov.u32 s19;
	_ =	swait.ge [sflag:s28], $0x3000  }
0xc6: {  	s23 =	smin.u32 s23, $0xCB;
	s24 =	rddreg [dreg:$0x5]  }
0xc7: {  	s23 =	sadd.s32 s23, s24  }
0xc8: {  	[sflag:s28] =	ssyncset.done $0x0;
	s23 =	sshll.u32 s23, $0x4  }
0xc9: {  	[sflag:s28] =	ssyncadd.s32 $0xFFFFD000;
	s24 =	sadd.s32 s1, s23  }
0xca: {  	[tilespmem:s5], [sflag:$0x3] =	stream.linear.gather [hbm4b:s24+s4], $0x80, $0x38;
	[tilespmem:$0x1D300] =	vst v63  }
0xcb: {  	s23 =	sadd.s32 s6, s23  }
0xcc: {  	[tilespmem:s8], [sflag:$0x3] =	stream.linear.gather [hbm4b:s23+s4], $0x80, $0x38;
	[tilespmem:$0x1D300] =	vst v63  }
0xcd: {  	p0 =	sne.s32 s19, $0xCC;
	_ =	swait.ge [sflag:s10], $0x80  }
.Ltmp1:
0xce: {  	[sflag:s10] =	ssyncset.done $0x0;
	(pc) =	sbr.rel @p0 .LBB2_4-.Ltmp1, $4  }
0xcf: {  	[sflag:s10] =	ssyncadd.s32 $0xFFFFFF80  }
0xd0: {  	s19 =	sadd.s32 $0x3, s19;
	_ =	swait.ge [sflag:s10], $0x80  }
0xd1: {  	s20 =	sadd.s32 $0x30, s20;
	s22 =	sadd.s32 $0x30, s22;
	[sflag:s10] =	ssyncset.done $0x0  }
0xd2: {  	s7 =	sadd.s32 $0x30, s7;
	s21 =	sadd.s32 $0x30, s21;
	[sflag:s10] =	ssyncadd.s32 $0xFFFFFF80  }
0xd3: {  	[tilespmem:s11], [sflag:$0x5] =	stream.indirect.gather [hbm4b:s2+s9], $0x80, s31, s9, $0xb8;
	[tilespmem:$0x1D300] =	vst v63  }
0xd4: {  	_ =	swait.ge [sflag:s12], $0x3000  }
0xd5: {  	[sflag:s12] =	ssyncset.done $0x0  }
0xd6: {  	[sflag:s12] =	ssyncadd.s32 $0xFFFFD000  }
0xd7: {  	[spmem:s3] =	stream.indirect.scatter.add.f32 [tilespmem:s26], [sflag:$0x7], $0x80, s30, s9, $0xb8;
	[tilespmem:$0x1D300] =	vst v63  }
0xd8: {  	_ =	swait.ge [sflag:s28], $0x3000  }
0xd9: {  	[sflag:s28] =	ssyncset.done $0x0  }
0xda: {  	[sflag:s28] =	ssyncadd.s32 $0xFFFFD000  }
0xdb: {  	_ =	swait.ge [sflag:s15], $0x3000  }
0xdc: {  	[sflag:s15] =	ssyncset.done $0x0  }
0xdd: {  	[sflag:s15] =	ssyncadd.s32 $0xFFFFD000  }
0xde: {  	[spmem:s3] =	stream.indirect.scatter.add.f32 [tilespmem:s11], [sflag:$0x7], $0x80, s0, s9, $0xb8;
	[tilespmem:$0x1D300] =	vst v63  }
0xdf: {  	_ =	swait.ge [sflag:s28], $0x3000  }
0xe0: {  	[sflag:s28] =	ssyncset.done $0x0  }
0xe1: {  	[sflag:s28] =	ssyncadd.s32 $0xFFFFD000  }
0xe2: {  	_ =	swait.ge [sflag:s13], $0x80  }
0xe3: {  	[sflag:s13] =	ssyncset.done $0x0  }
0xe4: {  	[sflag:s13] =	ssyncadd.s32 $0xFFFFFF80  }
0xe5: {  	_ =	swait.ge [sflag:s13], $0x80  }
0xe6: {  	[sflag:s13] =	ssyncset.done $0x0  }
0xe7: {  	s7 =	stileid.u32;
	[sflag:s13] =	ssyncadd.s32 $0xFFFFFF80  }
0xe8: {  	s7 =	sshll.u32 s7, $0x6;
	[bflag:$0x0] =	sbarrier.arrive $0xFFFF  }
0xe9: {  	s19 =	sshrl.u32 s25, $0x3;
	s7 =	sor.u32 $0x1C07, s7;
	s21 =	rddreg [dreg:$0x14]  }
0xea: {  	[hbm:s21], [sflag:s7] =	dma.local [spmem:s19], $0x2800  }
0xeb: {  	_ =	swait.ge [sflag:s28], $0x2800  }
0xec: {  	s20 =	smov.u32 s25;
	s18 =	sadd.s32 $0x1, s18;
	s25 =	rddreg [dreg:$0x12]  }
0xed: {  	p0 =	sne.s32 s18, s25  }
.Ltmp2:
0xee: {  	_ = 	snop;
	(pc) =	sbr.rel @p0 .LBB2_1-.Ltmp2, $3  }
0xef: {  	_ =	sdelay $0x1  }
0xf0: {  	[sflag:s28] =	ssyncset.done $0x0  }
0xf1: {  	[sflag:s28] =	ssyncadd.s32 $0xFFFFD800  }
0xf2: {  	_ =	sfence.sel $0x180000  }
0xf3: {  	[bflag:$0x0] =	sbarrier.arrive $0xFFFF  }
0xf4: {  	_ =	strace $0x90000047  }
0xf5: {  	s0 =	stileid.u32;
	[bflag:$0x2] =	sbarrier.arrive $0xFFFF  }
0xf6: {  	p0 =	sne.s32 s0, $0x0;
	s0 =	rddreg [dreg:$0x4]  }
0xf7: {  	s0 =	sadd.s32 @!p0 $0x100000, s0  }
0xf8: {  	[sflag:s0] =	ssyncadd.tile.s32 @!p0 $0x1;
	_ =	shalt  }
.Lfunc_end2:
_tile_overlayer_lowered:
.L_overlay_start_2:
0xf9: {  	(tag) =	ssettag $0x2  }
0xfa: {  	s0 =	rddreg [dreg:$0x0];
	s2 =	stileid.u32  }
0xfb: {  	s1 =	rddreg [dreg:$0x1];
	p0 =	sne.s32 s2, $0x0  }
0xfc: {  	s3 =	rddreg [dreg:$0x2];
	[bflag:$0x3] =	sbarrier.arrive $0xFFFF;
	s2 =	simm.s32 @!p0 $0x1C07  }
0xfd: {  	[timem:s3], [sflag:s2] =	dma.local @!p0 [hbm:s0], s1  }
0xfe: {  	s0 =	simm.s32 @!p0 $0x7  }
0xff: {  	_ =	swait.ge @!p0 [sflag:s0], s1  }
0x100: {  	s1 =	ssub.s32 @!p0 $0x0, s1;
	[sflag:s0] =	ssyncset.done @!p0 $0x0  }
0x101: {  	[sflag:s0] =	ssyncadd.s32 @!p0 s1  }
0x102: {  	[bflag:$0x3] =	sbarrier.arrive $0xFFFF  }
0x103: {  	_ =	shalt  }

</sc_bundles>
